<compile_context>
chip_gen: v7x
topology: tpu7x:2x2x1
jax: 0.10.2.dev20260603
libtpu: 0.0.44.dev20260713+nightly
codegen_flags: <defaults>
</compile_context>

<pallas_src>
import functools

import jax
import jax.numpy as jnp
from jax import lax
from jax.experimental import pallas as pl
from jax.experimental.pallas import tpu as pltpu
from jax.experimental.pallas import tpu_sc as plsc

HIDDEN = 128
N_MOL = 1024
N_SUB = 16
CHUNK = 6400
N_PAD = N_SUB * CHUNK
BLK = 2000
ACC = N_MOL
COLS = ACC // N_SUB


def _mlp_body(x_ref, w1_ref, b1_ref, w2_ref, b2_ref, o_ref):
    x = x_ref[...]
    h = jnp.dot(x, w1_ref[...], preferred_element_type=jnp.float32)
    h = h + b1_ref[...]
    h = h * jax.nn.sigmoid(h)
    e = jnp.dot(h, w2_ref[...], preferred_element_type=jnp.float32)
    o_ref[...] = (e + b2_ref[...]).reshape(1, BLK // 16, 16)


def _atomic_energies(x, W1, b1, W2, b2):
    n = x.shape[0]
    grid = (n // BLK,)
    return pl.pallas_call(
        _mlp_body,
        grid=grid,
        in_specs=[
            pl.BlockSpec((BLK, HIDDEN), lambda i: (i, 0)),
            pl.BlockSpec((HIDDEN, HIDDEN), lambda i: (0, 0)),
            pl.BlockSpec((1, HIDDEN), lambda i: (0, 0)),
            pl.BlockSpec((HIDDEN, 1), lambda i: (0, 0)),
            pl.BlockSpec((1, 1), lambda i: (0, 0)),
        ],
        out_specs=pl.BlockSpec((1, BLK // 16, 16), lambda i: (i, 0, 0)),
        out_shape=jax.ShapeDtypeStruct((n // BLK, BLK // 16, 16), jnp.float32),
        compiler_params=pltpu.CompilerParams(
            dimension_semantics=("arbitrary",),
        ),
    )(x, W1, b1.reshape(1, HIDDEN), W2, b2.reshape(1, 1))


def _seg_body(n, e_hbm, id_hbm, out_hbm, e_v, id_v, acc_v, shr, tmp_v, res_v):
    last = n - (N_SUB - 1) * CHUNK
    w = lax.axis_index("s")
    base = w * CHUNK

    @pl.when(w < N_SUB - 1)
    def _():
        pltpu.sync_copy(e_hbm.at[pl.ds(base, CHUNK)], e_v)
        pltpu.sync_copy(id_hbm.at[pl.ds(base, CHUNK)], id_v)

    @pl.when(w == N_SUB - 1)
    def _():
        pltpu.sync_copy(e_hbm.at[pl.ds(base, last)], e_v.at[pl.ds(0, last)])
        pltpu.sync_copy(id_hbm.at[pl.ds(base, last)], id_v.at[pl.ds(0, last)])

    zeros = jnp.zeros((16,), jnp.float32)

    def zero_body(j, carry):
        acc_v[pl.ds(j * 16, 16)] = zeros
        return carry

    lax.fori_loop(0, ACC // 16, zero_body, 0, unroll=8)

    def scat_body(j, carry):
        idx = id_v[pl.ds(j * 16, 16)]
        val = e_v[pl.ds(j * 16, 16)]
        plsc.addupdate_scatter(acc_v, [idx], val)
        return carry

    lax.fori_loop(0, last // 16, scat_body, 0, unroll=8)

    @pl.when(w < N_SUB - 1)
    def _():
        lax.fori_loop(last // 16, CHUNK // 16, scat_body, 0, unroll=8)

    pltpu.sync_copy(acc_v, shr.at[pl.ds(w * ACC, ACC)])
    plsc.subcore_barrier()
    for r in range(N_SUB):
        pltpu.sync_copy(
            shr.at[pl.ds(r * ACC + w * COLS, COLS)],
            tmp_v.at[pl.ds(r * COLS, COLS)],
        )

    for c in range(COLS // 16):
        s = jnp.zeros((16,), jnp.float32)
        for r in range(N_SUB):
            s = s + tmp_v[pl.ds(r * COLS + c * 16, 16)]
        res_v[pl.ds(c * 16, 16)] = s

    pltpu.sync_copy(res_v, out_hbm.at[pl.ds(w * COLS, COLS)])


def _segment_sum(energies, ids):
    n = energies.shape[0]
    mesh = plsc.VectorSubcoreMesh(
        core_axis_name="c", subcore_axis_name="s", num_cores=1
    )
    fn = pl.kernel(
        functools.partial(_seg_body, n),
        mesh=mesh,
        out_type=jax.ShapeDtypeStruct((ACC,), jnp.float32),
        scratch_types=[
            pltpu.VMEM((CHUNK,), jnp.float32),
            pltpu.VMEM((CHUNK,), jnp.int32),
            pltpu.VMEM((ACC,), jnp.float32),
            pltpu.VMEM_SHARED((N_SUB * ACC,), jnp.float32),
            pltpu.VMEM((N_SUB * COLS,), jnp.float32),
            pltpu.VMEM((COLS,), jnp.float32),
        ],
        compiler_params=pltpu.CompilerParams(needs_layout_passes=False),
    )
    return fn(energies, ids)


@jax.jit
def kernel(atoms_h, graph_batch, W1, b1, W2, b2):
    n = atoms_h.shape[0]
    ids = graph_batch.astype(jnp.int32)
    energies = _atomic_energies(atoms_h, W1, b1, W2, b2).reshape(n)
    return _segment_sum(energies, ids)

# --- scband reference (transcript-rebuilt; emitter-appended) ---
"""Pipeline reference for scband-energy-head-module-84361747628502 (READ-ONLY COPY).

The authoritative reference and input builder live on the scoring server;
editing this copy changes nothing except your own understanding.
"""

import jax, jax.numpy as jnp
import numpy as np

HIDDEN_DIM = 128
N_ATOMS = 100000
N_MOL = 1024


def setup_inputs(seed: int = 0) -> dict:
    key = jax.random.key(seed)
    k1, k2, k3, k4, k5, k6 = jax.random.split(key, 6)
    atoms_h = jax.random.normal(k1, (N_ATOMS, HIDDEN_DIM), dtype=jnp.float32)
    graph_batch = jnp.sort(jax.random.randint(k2, (N_ATOMS,), 0, N_MOL, dtype=jnp.int64))
    # ensure max segment id present so B is deterministic
    graph_batch = graph_batch.at[-1].set(N_MOL - 1)
    # Linear(hidden, hidden) + Linear(hidden, 1) params (Kaiming-uniform-ish init like torch defaults)
    bound1 = 1.0 / np.sqrt(HIDDEN_DIM)
    W1 = jax.random.uniform(k3, (HIDDEN_DIM, HIDDEN_DIM), dtype=jnp.float32, minval=-bound1, maxval=bound1)
    b1 = jax.random.uniform(k4, (HIDDEN_DIM,), dtype=jnp.float32, minval=-bound1, maxval=bound1)
    W2 = jax.random.uniform(k5, (HIDDEN_DIM, 1), dtype=jnp.float32, minval=-bound1, maxval=bound1)
    b2 = jax.random.uniform(k6, (1,), dtype=jnp.float32, minval=-bound1, maxval=bound1)
    return {"atoms_h": atoms_h, "graph_batch": graph_batch, "W1": W1, "b1": b1, "W2": W2, "b2": b2}


def reference(atoms_h, graph_batch, W1, b1, W2, b2):
    # atomic_mlp: Linear -> SiLU -> Linear, then squeeze(-1)
    h = atoms_h @ W1 + b1
    h = h * jax.nn.sigmoid(h)  # SiLU
    atomic_energies = (h @ W2 + b2)[:, 0]
    num_molecules = N_MOL
    # index_add_ -> segment_sum
    molecular_energies = jax.ops.segment_sum(atomic_energies, graph_batch, num_segments=num_molecules)
    return molecular_energies

if __name__ == "__main__":
    import jax
    _d = setup_inputs()
    print(jax.jit(kernel)(*tuple(_d.values())))

</pallas_src>

<mosaic_0001>
#map = affine_map<(d0, d1) -> (0)>
module attributes {stable_mosaic.version = 14 : i64} {
  func.func @_seg_body(%arg0: i32, %arg1: i32, %arg2: memref<100000xf32, #tpu.memory_space<hbm>>, %arg3: memref<100000xi32, #tpu.memory_space<hbm>>, %arg4: memref<1024xf32, #tpu.memory_space<hbm>>, %arg5: memref<6400xf32, #tpu.memory_space<vmem>>, %arg6: memref<6400xi32, #tpu.memory_space<vmem>>, %arg7: memref<1024xf32, #tpu.memory_space<vmem>>, %arg8: memref<16384xf32, #tpu.memory_space<vmem_shared>>, %arg9: memref<1024xf32, #tpu.memory_space<vmem>>, %arg10: memref<64xf32, #tpu.memory_space<vmem>>) attributes {dimension_semantics = [#tpu.dimension_semantics<core_parallel>, #tpu.dimension_semantics<subcore_parallel>], iteration_bounds = array<i64: 1, 16>, scalar_prefetch = 0 : i64, scratch_operands = 6 : i64, tpu.core_type = #tpu.core_type<sc_vector_subcore>, window_params = [{transform_indices = #map}, {transform_indices = #map}, {transform_indices = #map}]} {
    %mul3A = arith.constant 6400 : i32
    %mul3A_0 = arith.muli %arg1, %mul3A : i32
    %lt3A = arith.constant 15 : i32
    %lt3A_1 = arith.cmpi slt, %arg1, %lt3A : i32
    %convert_element_type3A = arith.extui %lt3A_1 : i1 to i32
    %cond3A = arith.constant 0 : i32
    %cond3A_2 = arith.cmpi ne, %convert_element_type3A, %cond3A : i32
    scf.if %cond3A_2 {
      "tpu.region"() ({
        %run_scoped3A = tpu.sem_alloc : memref<!tpu.dma_semaphore, #tpu.memory_space<semaphore_mem>>
        %dma_start3A = tpu.memref_slice %arg2[%mul3A_0] : memref<100000xf32, #tpu.memory_space<hbm>> -> memref<6400xf32, #tpu.memory_space<hbm>>
        %dma_start3A_317 = tpu.memref_slice %arg2[%mul3A_0] : memref<100000xf32, #tpu.memory_space<hbm>> -> memref<6400xf32, #tpu.memory_space<hbm>>
        tpu.enqueue_dma source(%dma_start3A_317 : memref<6400xf32, #tpu.memory_space<hbm>>) target(%arg5 : memref<6400xf32, #tpu.memory_space<vmem>>) target_semaphore(%run_scoped3A : memref<!tpu.dma_semaphore, #tpu.memory_space<semaphore_mem>>)
        %dma_wait3A = tpu.memref_slice %arg2[%mul3A_0] : memref<100000xf32, #tpu.memory_space<hbm>> -> memref<6400xf32, #tpu.memory_space<hbm>>
        %dma_wait3A_318 = tpu.memref_slice %arg2[%mul3A_0] : memref<100000xf32, #tpu.memory_space<hbm>> -> memref<6400xf32, #tpu.memory_space<hbm>>
        tpu.wait_dma2 semaphore(%run_scoped3A : memref<!tpu.dma_semaphore, #tpu.memory_space<semaphore_mem>>) src(%dma_wait3A_318 : memref<6400xf32, #tpu.memory_space<hbm>>) dst(%arg5 : memref<6400xf32, #tpu.memory_space<vmem>>)
        tpu.yield
      }) : () -> ()
      "tpu.region"() ({
        %run_scoped3A = tpu.sem_alloc : memref<!tpu.dma_semaphore, #tpu.memory_space<semaphore_mem>>
        %dma_start3A = tpu.memref_slice %arg3[%mul3A_0] : memref<100000xi32, #tpu.memory_space<hbm>> -> memref<6400xi32, #tpu.memory_space<hbm>>
        %dma_start3A_317 = tpu.memref_slice %arg3[%mul3A_0] : memref<100000xi32, #tpu.memory_space<hbm>> -> memref<6400xi32, #tpu.memory_space<hbm>>
        tpu.enqueue_dma source(%dma_start3A_317 : memref<6400xi32, #tpu.memory_space<hbm>>) target(%arg6 : memref<6400xi32, #tpu.memory_space<vmem>>) target_semaphore(%run_scoped3A : memref<!tpu.dma_semaphore, #tpu.memory_space<semaphore_mem>>)
        %dma_wait3A = tpu.memref_slice %arg3[%mul3A_0] : memref<100000xi32, #tpu.memory_space<hbm>> -> memref<6400xi32, #tpu.memory_space<hbm>>
        %dma_wait3A_318 = tpu.memref_slice %arg3[%mul3A_0] : memref<100000xi32, #tpu.memory_space<hbm>> -> memref<6400xi32, #tpu.memory_space<hbm>>
        tpu.wait_dma2 semaphore(%run_scoped3A : memref<!tpu.dma_semaphore, #tpu.memory_space<semaphore_mem>>) src(%dma_wait3A_318 : memref<6400xi32, #tpu.memory_space<hbm>>) dst(%arg6 : memref<6400xi32, #tpu.memory_space<vmem>>)
        tpu.yield
      }) : () -> ()
    } else {
    }
    %eq3A = arith.constant 15 : i32
    %eq3A_3 = arith.cmpi eq, %arg1, %eq3A : i32
    %convert_element_type3A_4 = arith.extui %eq3A_3 : i1 to i32
    %cond3A_5 = arith.constant 0 : i32
    %cond3A_6 = arith.cmpi ne, %convert_element_type3A_4, %cond3A_5 : i32
    scf.if %cond3A_6 {
      "tpu.region"() ({
        %run_scoped3A = tpu.sem_alloc : memref<!tpu.dma_semaphore, #tpu.memory_space<semaphore_mem>>
        %dma_start3A = arith.constant 0 : i32
        %dma_start3A_317 = tpu.memref_slice %arg5[%dma_start3A] : memref<6400xf32, #tpu.memory_space<vmem>> -> memref<4000xf32, #tpu.memory_space<vmem>>
        %dma_start3A_318 = tpu.memref_slice %arg2[%mul3A_0] : memref<100000xf32, #tpu.memory_space<hbm>> -> memref<4000xf32, #tpu.memory_space<hbm>>
        %dma_start3A_319 = arith.constant 0 : i32
        %dma_start3A_320 = tpu.memref_slice %arg5[%dma_start3A_319] : memref<6400xf32, #tpu.memory_space<vmem>> -> memref<4000xf32, #tpu.memory_space<vmem>>
        %dma_start3A_321 = tpu.memref_slice %arg2[%mul3A_0] : memref<100000xf32, #tpu.memory_space<hbm>> -> memref<4000xf32, #tpu.memory_space<hbm>>
        tpu.enqueue_dma source(%dma_start3A_321 : memref<4000xf32, #tpu.memory_space<hbm>>) target(%dma_start3A_320 : memref<4000xf32, #tpu.memory_space<vmem>>) target_semaphore(%run_scoped3A : memref<!tpu.dma_semaphore, #tpu.memory_space<semaphore_mem>>)
        %dma_wait3A = arith.constant 0 : i32
        %dma_wait3A_322 = tpu.memref_slice %arg5[%dma_wait3A] : memref<6400xf32, #tpu.memory_space<vmem>> -> memref<4000xf32, #tpu.memory_space<vmem>>
        %dma_wait3A_323 = tpu.memref_slice %arg2[%mul3A_0] : memref<100000xf32, #tpu.memory_space<hbm>> -> memref<4000xf32, #tpu.memory_space<hbm>>
        %dma_wait3A_324 = arith.constant 0 : i32
        %dma_wait3A_325 = tpu.memref_slice %arg5[%dma_wait3A_324] : memref<6400xf32, #tpu.memory_space<vmem>> -> memref<4000xf32, #tpu.memory_space<vmem>>
        %dma_wait3A_326 = tpu.memref_slice %arg2[%mul3A_0] : memref<100000xf32, #tpu.memory_space<hbm>> -> memref<4000xf32, #tpu.memory_space<hbm>>
        tpu.wait_dma2 semaphore(%run_scoped3A : memref<!tpu.dma_semaphore, #tpu.memory_space<semaphore_mem>>) src(%dma_wait3A_326 : memref<4000xf32, #tpu.memory_space<hbm>>) dst(%dma_wait3A_325 : memref<4000xf32, #tpu.memory_space<vmem>>)
        tpu.yield
      }) : () -> ()
      "tpu.region"() ({
        %run_scoped3A = tpu.sem_alloc : memref<!tpu.dma_semaphore, #tpu.memory_space<semaphore_mem>>
        %dma_start3A = arith.constant 0 : i32
        %dma_start3A_317 = tpu.memref_slice %arg6[%dma_start3A] : memref<6400xi32, #tpu.memory_space<vmem>> -> memref<4000xi32, #tpu.memory_space<vmem>>
        %dma_start3A_318 = tpu.memref_slice %arg3[%mul3A_0] : memref<100000xi32, #tpu.memory_space<hbm>> -> memref<4000xi32, #tpu.memory_space<hbm>>
        %dma_start3A_319 = arith.constant 0 : i32
        %dma_start3A_320 = tpu.memref_slice %arg6[%dma_start3A_319] : memref<6400xi32, #tpu.memory_space<vmem>> -> memref<4000xi32, #tpu.memory_space<vmem>>
        %dma_start3A_321 = tpu.memref_slice %arg3[%mul3A_0] : memref<100000xi32, #tpu.memory_space<hbm>> -> memref<4000xi32, #tpu.memory_space<hbm>>
        tpu.enqueue_dma source(%dma_start3A_321 : memref<4000xi32, #tpu.memory_space<hbm>>) target(%dma_start3A_320 : memref<4000xi32, #tpu.memory_space<vmem>>) target_semaphore(%run_scoped3A : memref<!tpu.dma_semaphore, #tpu.memory_space<semaphore_mem>>)
        %dma_wait3A = arith.constant 0 : i32
        %dma_wait3A_322 = tpu.memref_slice %arg6[%dma_wait3A] : memref<6400xi32, #tpu.memory_space<vmem>> -> memref<4000xi32, #tpu.memory_space<vmem>>
        %dma_wait3A_323 = tpu.memref_slice %arg3[%mul3A_0] : memref<100000xi32, #tpu.memory_space<hbm>> -> memref<4000xi32, #tpu.memory_space<hbm>>
        %dma_wait3A_324 = arith.constant 0 : i32
        %dma_wait3A_325 = tpu.memref_slice %arg6[%dma_wait3A_324] : memref<6400xi32, #tpu.memory_space<vmem>> -> memref<4000xi32, #tpu.memory_space<vmem>>
        %dma_wait3A_326 = tpu.memref_slice %arg3[%mul3A_0] : memref<100000xi32, #tpu.memory_space<hbm>> -> memref<4000xi32, #tpu.memory_space<hbm>>
        tpu.wait_dma2 semaphore(%run_scoped3A : memref<!tpu.dma_semaphore, #tpu.memory_space<semaphore_mem>>) src(%dma_wait3A_326 : memref<4000xi32, #tpu.memory_space<hbm>>) dst(%dma_wait3A_325 : memref<4000xi32, #tpu.memory_space<vmem>>)
        tpu.yield
      }) : () -> ()
    } else {
    }
    %broadcast_in_dim3A = arith.constant 0.000000e+00 : f32
    %broadcast_in_dim3A_7 = vector.broadcast %broadcast_in_dim3A : f32 to vector<16xf32>
    %scan3A = arith.constant 0 : i32
    %scan3A_8 = arith.constant 0 : i32
    %scan3A_9 = arith.constant 64 : i32
    %scan3A_10 = arith.addi %scan3A_8, %scan3A_9 : i32
    %scan3A_11 = arith.constant 8 : i32
    scf.for %scan3A_317 = %scan3A_8 to %scan3A_10 step %scan3A_11  : i32 {
      %mul3A_318 = arith.constant 16 : i32
      %mul3A_319 = arith.muli %scan3A_317, %mul3A_318 : i32
      %swap3A_320 = arith.index_cast %mul3A_319 : i32 to index
      %swap3A_321 = tpu.vector_load %arg7[%swap3A_320] {strides = array<i32>} : memref<1024xf32, #tpu.memory_space<vmem>>, vector<16xf32>,
      tpu.vector_store %arg7[%swap3A_320], %broadcast_in_dim3A_7 {strides = array<i32>} : memref<1024xf32, #tpu.memory_space<vmem>>, vector<16xf32>,
      %scan3A_322 = arith.constant 1 : i32
      %scan3A_323 = arith.addi %scan3A_317, %scan3A_322 : i32
      %mul3A_324 = arith.constant 16 : i32
      %mul3A_325 = arith.muli %scan3A_323, %mul3A_324 : i32
      %swap3A_326 = arith.index_cast %mul3A_325 : i32 to index
      %swap3A_327 = tpu.vector_load %arg7[%swap3A_326] {strides = array<i32>} : memref<1024xf32, #tpu.memory_space<vmem>>, vector<16xf32>,
      tpu.vector_store %arg7[%swap3A_326], %broadcast_in_dim3A_7 {strides = array<i32>} : memref<1024xf32, #tpu.memory_space<vmem>>, vector<16xf32>,
      %scan3A_328 = arith.constant 2 : i32
      %scan3A_329 = arith.addi %scan3A_317, %scan3A_328 : i32
      %mul3A_330 = arith.constant 16 : i32
      %mul3A_331 = arith.muli %scan3A_329, %mul3A_330 : i32
      %swap3A_332 = arith.index_cast %mul3A_331 : i32 to index
      %swap3A_333 = tpu.vector_load %arg7[%swap3A_332] {strides = array<i32>} : memref<1024xf32, #tpu.memory_space<vmem>>, vector<16xf32>,
      tpu.vector_store %arg7[%swap3A_332], %broadcast_in_dim3A_7 {strides = array<i32>} : memref<1024xf32, #tpu.memory_space<vmem>>, vector<16xf32>,
      %scan3A_334 = arith.constant 3 : i32
      %scan3A_335 = arith.addi %scan3A_317, %scan3A_334 : i32
      %mul3A_336 = arith.constant 16 : i32
      %mul3A_337 = arith.muli %scan3A_335, %mul3A_336 : i32
      %swap3A_338 = arith.index_cast %mul3A_337 : i32 to index
      %swap3A_339 = tpu.vector_load %arg7[%swap3A_338] {strides = array<i32>} : memref<1024xf32, #tpu.memory_space<vmem>>, vector<16xf32>,
      tpu.vector_store %arg7[%swap3A_338], %broadcast_in_dim3A_7 {strides = array<i32>} : memref<1024xf32, #tpu.memory_space<vmem>>, vector<16xf32>,
      %scan3A_340 = arith.constant 4 : i32
      %scan3A_341 = arith.addi %scan3A_317, %scan3A_340 : i32
      %mul3A_342 = arith.constant 16 : i32
      %mul3A_343 = arith.muli %scan3A_341, %mul3A_342 : i32
      %swap3A_344 = arith.index_cast %mul3A_343 : i32 to index
      %swap3A_345 = tpu.vector_load %arg7[%swap3A_344] {strides = array<i32>} : memref<1024xf32, #tpu.memory_space<vmem>>, vector<16xf32>,
      tpu.vector_store %arg7[%swap3A_344], %broadcast_in_dim3A_7 {strides = array<i32>} : memref<1024xf32, #tpu.memory_space<vmem>>, vector<16xf32>,
      %scan3A_346 = arith.constant 5 : i32
      %scan3A_347 = arith.addi %scan3A_317, %scan3A_346 : i32
      %mul3A_348 = arith.constant 16 : i32
      %mul3A_349 = arith.muli %scan3A_347, %mul3A_348 : i32
      %swap3A_350 = arith.index_cast %mul3A_349 : i32 to index
      %swap3A_351 = tpu.vector_load %arg7[%swap3A_350] {strides = array<i32>} : memref<1024xf32, #tpu.memory_space<vmem>>, vector<16xf32>,
      tpu.vector_store %arg7[%swap3A_350], %broadcast_in_dim3A_7 {strides = array<i32>} : memref<1024xf32, #tpu.memory_space<vmem>>, vector<16xf32>,
      %scan3A_352 = arith.constant 6 : i32
      %scan3A_353 = arith.addi %scan3A_317, %scan3A_352 : i32
      %mul3A_354 = arith.constant 16 : i32
      %mul3A_355 = arith.muli %scan3A_353, %mul3A_354 : i32
      %swap3A_356 = arith.index_cast %mul3A_355 : i32 to index
      %swap3A_357 = tpu.vector_load %arg7[%swap3A_356] {strides = array<i32>} : memref<1024xf32, #tpu.memory_space<vmem>>, vector<16xf32>,
      tpu.vector_store %arg7[%swap3A_356], %broadcast_in_dim3A_7 {strides = array<i32>} : memref<1024xf32, #tpu.memory_space<vmem>>, vector<16xf32>,
      %scan3A_358 = arith.constant 7 : i32
      %scan3A_359 = arith.addi %scan3A_317, %scan3A_358 : i32
      %mul3A_360 = arith.constant 16 : i32
      %mul3A_361 = arith.muli %scan3A_359, %mul3A_360 : i32
      %swap3A_362 = arith.index_cast %mul3A_361 : i32 to index
      %swap3A_363 = tpu.vector_load %arg7[%swap3A_362] {strides = array<i32>} : memref<1024xf32, #tpu.memory_space<vmem>>, vector<16xf32>,
      tpu.vector_store %arg7[%swap3A_362], %broadcast_in_dim3A_7 {strides = array<i32>} : memref<1024xf32, #tpu.memory_space<vmem>>, vector<16xf32>,
    }
    %scan3A_12 = arith.constant 64 : i32
    %scan3A_13 = arith.constant 0 : i32
    %scan3A_14 = arith.constant 0 : i32
    %scan3A_15 = arith.constant 248 : i32
    %scan3A_16 = arith.addi %scan3A_14, %scan3A_15 : i32
    %scan3A_17 = arith.constant 8 : i32
    scf.for %scan3A_317 = %scan3A_14 to %scan3A_16 step %scan3A_17  : i32 {
      %mul3A_318 = arith.constant 16 : i32
      %mul3A_319 = arith.muli %scan3A_317, %mul3A_318 : i32
      %get3A_320 = arith.index_cast %mul3A_319 : i32 to index
      %get3A_321 = tpu.vector_load %arg6[%get3A_320] {strides = array<i32>} : memref<6400xi32, #tpu.memory_space<vmem>>, vector<16xi32>,
      %mul3A_322 = arith.constant 16 : i32
      %mul3A_323 = arith.muli %scan3A_317, %mul3A_322 : i32
      %get3A_324 = arith.index_cast %mul3A_323 : i32 to index
      %get3A_325 = tpu.vector_load %arg5[%get3A_324] {strides = array<i32>} : memref<6400xf32, #tpu.memory_space<vmem>>, vector<16xf32>,
      tpu.vector_store_idx %arg7[%get3A_321], %get3A_325 {add = true} : memref<1024xf32, #tpu.memory_space<vmem>>[vector<16xi32>], vector<16xf32>,
      %scan3A_326 = arith.constant 1 : i32
      %scan3A_327 = arith.addi %scan3A_317, %scan3A_326 : i32
      %mul3A_328 = arith.constant 16 : i32
      %mul3A_329 = arith.muli %scan3A_327, %mul3A_328 : i32
      %get3A_330 = arith.index_cast %mul3A_329 : i32 to index
      %get3A_331 = tpu.vector_load %arg6[%get3A_330] {strides = array<i32>} : memref<6400xi32, #tpu.memory_space<vmem>>, vector<16xi32>,
      %mul3A_332 = arith.constant 16 : i32
      %mul3A_333 = arith.muli %scan3A_327, %mul3A_332 : i32
      %get3A_334 = arith.index_cast %mul3A_333 : i32 to index
      %get3A_335 = tpu.vector_load %arg5[%get3A_334] {strides = array<i32>} : memref<6400xf32, #tpu.memory_space<vmem>>, vector<16xf32>,
      tpu.vector_store_idx %arg7[%get3A_331], %get3A_335 {add = true} : memref<1024xf32, #tpu.memory_space<vmem>>[vector<16xi32>], vector<16xf32>,
      %scan3A_336 = arith.constant 2 : i32
      %scan3A_337 = arith.addi %scan3A_317, %scan3A_336 : i32
      %mul3A_338 = arith.constant 16 : i32
      %mul3A_339 = arith.muli %scan3A_337, %mul3A_338 : i32
      %get3A_340 = arith.index_cast %mul3A_339 : i32 to index
      %get3A_341 = tpu.vector_load %arg6[%get3A_340] {strides = array<i32>} : memref<6400xi32, #tpu.memory_space<vmem>>, vector<16xi32>,
      %mul3A_342 = arith.constant 16 : i32
      %mul3A_343 = arith.muli %scan3A_337, %mul3A_342 : i32
      %get3A_344 = arith.index_cast %mul3A_343 : i32 to index
      %get3A_345 = tpu.vector_load %arg5[%get3A_344] {strides = array<i32>} : memref<6400xf32, #tpu.memory_space<vmem>>, vector<16xf32>,
      tpu.vector_store_idx %arg7[%get3A_341], %get3A_345 {add = true} : memref<1024xf32, #tpu.memory_space<vmem>>[vector<16xi32>], vector<16xf32>,
      %scan3A_346 = arith.constant 3 : i32
      %scan3A_347 = arith.addi %scan3A_317, %scan3A_346 : i32
      %mul3A_348 = arith.constant 16 : i32
      %mul3A_349 = arith.muli %scan3A_347, %mul3A_348 : i32
      %get3A_350 = arith.index_cast %mul3A_349 : i32 to index
      %get3A_351 = tpu.vector_load %arg6[%get3A_350] {strides = array<i32>} : memref<6400xi32, #tpu.memory_space<vmem>>, vector<16xi32>,
      %mul3A_352 = arith.constant 16 : i32
      %mul3A_353 = arith.muli %scan3A_347, %mul3A_352 : i32
      %get3A_354 = arith.index_cast %mul3A_353 : i32 to index
      %get3A_355 = tpu.vector_load %arg5[%get3A_354] {strides = array<i32>} : memref<6400xf32, #tpu.memory_space<vmem>>, vector<16xf32>,
      tpu.vector_store_idx %arg7[%get3A_351], %get3A_355 {add = true} : memref<1024xf32, #tpu.memory_space<vmem>>[vector<16xi32>], vector<16xf32>,
      %scan3A_356 = arith.constant 4 : i32
      %scan3A_357 = arith.addi %scan3A_317, %scan3A_356 : i32
      %mul3A_358 = arith.constant 16 : i32
      %mul3A_359 = arith.muli %scan3A_357, %mul3A_358 : i32
      %get3A_360 = arith.index_cast %mul3A_359 : i32 to index
      %get3A_361 = tpu.vector_load %arg6[%get3A_360] {strides = array<i32>} : memref<6400xi32, #tpu.memory_space<vmem>>, vector<16xi32>,
      %mul3A_362 = arith.constant 16 : i32
      %mul3A_363 = arith.muli %scan3A_357, %mul3A_362 : i32
      %get3A_364 = arith.index_cast %mul3A_363 : i32 to index
      %get3A_365 = tpu.vector_load %arg5[%get3A_364] {strides = array<i32>} : memref<6400xf32, #tpu.memory_space<vmem>>, vector<16xf32>,
      tpu.vector_store_idx %arg7[%get3A_361], %get3A_365 {add = true} : memref<1024xf32, #tpu.memory_space<vmem>>[vector<16xi32>], vector<16xf32>,
      %scan3A_366 = arith.constant 5 : i32
      %scan3A_367 = arith.addi %scan3A_317, %scan3A_366 : i32
      %mul3A_368 = arith.constant 16 : i32
      %mul3A_369 = arith.muli %scan3A_367, %mul3A_368 : i32
      %get3A_370 = arith.index_cast %mul3A_369 : i32 to index
      %get3A_371 = tpu.vector_load %arg6[%get3A_370] {strides = array<i32>} : memref<6400xi32, #tpu.memory_space<vmem>>, vector<16xi32>,
      %mul3A_372 = arith.constant 16 : i32
      %mul3A_373 = arith.muli %scan3A_367, %mul3A_372 : i32
      %get3A_374 = arith.index_cast %mul3A_373 : i32 to index
      %get3A_375 = tpu.vector_load %arg5[%get3A_374] {strides = array<i32>} : memref<6400xf32, #tpu.memory_space<vmem>>, vector<16xf32>,
      tpu.vector_store_idx %arg7[%get3A_371], %get3A_375 {add = true} : memref<1024xf32, #tpu.memory_space<vmem>>[vector<16xi32>], vector<16xf32>,
      %scan3A_376 = arith.constant 6 : i32
      %scan3A_377 = arith.addi %scan3A_317, %scan3A_376 : i32
      %mul3A_378 = arith.constant 16 : i32
      %mul3A_379 = arith.muli %scan3A_377, %mul3A_378 : i32
      %get3A_380 = arith.index_cast %mul3A_379 : i32 to index
      %get3A_381 = tpu.vector_load %arg6[%get3A_380] {strides = array<i32>} : memref<6400xi32, #tpu.memory_space<vmem>>, vector<16xi32>,
      %mul3A_382 = arith.constant 16 : i32
      %mul3A_383 = arith.muli %scan3A_377, %mul3A_382 : i32
      %get3A_384 = arith.index_cast %mul3A_383 : i32 to index
      %get3A_385 = tpu.vector_load %arg5[%get3A_384] {strides = array<i32>} : memref<6400xf32, #tpu.memory_space<vmem>>, vector<16xf32>,
      tpu.vector_store_idx %arg7[%get3A_381], %get3A_385 {add = true} : memref<1024xf32, #tpu.memory_space<vmem>>[vector<16xi32>], vector<16xf32>,
      %scan3A_386 = arith.constant 7 : i32
      %scan3A_387 = arith.addi %scan3A_317, %scan3A_386 : i32
      %mul3A_388 = arith.constant 16 : i32
      %mul3A_389 = arith.muli %scan3A_387, %mul3A_388 : i32
      %get3A_390 = arith.index_cast %mul3A_389 : i32 to index
      %get3A_391 = tpu.vector_load %arg6[%get3A_390] {strides = array<i32>} : memref<6400xi32, #tpu.memory_space<vmem>>, vector<16xi32>,
      %mul3A_392 = arith.constant 16 : i32
      %mul3A_393 = arith.muli %scan3A_387, %mul3A_392 : i32
      %get3A_394 = arith.index_cast %mul3A_393 : i32 to index
      %get3A_395 = tpu.vector_load %arg5[%get3A_394] {strides = array<i32>} : memref<6400xf32, #tpu.memory_space<vmem>>, vector<16xf32>,
      tpu.vector_store_idx %arg7[%get3A_391], %get3A_395 {add = true} : memref<1024xf32, #tpu.memory_space<vmem>>[vector<16xi32>], vector<16xf32>,
    }
    %scan3A_18 = arith.constant 248 : i32
    %scan3A_19 = arith.addi %scan3A_14, %scan3A_18 : i32
    %mul3A_20 = arith.constant 16 : i32
    %mul3A_21 = arith.muli %scan3A_19, %mul3A_20 : i32
    %get3A = arith.index_cast %mul3A_21 : i32 to index
    %get3A_22 = tpu.vector_load %arg6[%get3A] {strides = array<i32>} : memref<6400xi32, #tpu.memory_space<vmem>>, vector<16xi32>,
    %mul3A_23 = arith.constant 16 : i32
    %mul3A_24 = arith.muli %scan3A_19, %mul3A_23 : i32
    %get3A_25 = arith.index_cast %mul3A_24 : i32 to index
    %get3A_26 = tpu.vector_load %arg5[%get3A_25] {strides = array<i32>} : memref<6400xf32, #tpu.memory_space<vmem>>, vector<16xf32>,
    tpu.vector_store_idx %arg7[%get3A_22], %get3A_26 {add = true} : memref<1024xf32, #tpu.memory_space<vmem>>[vector<16xi32>], vector<16xf32>,
    %scan3A_27 = arith.constant 249 : i32
    %scan3A_28 = arith.addi %scan3A_14, %scan3A_27 : i32
    %mul3A_29 = arith.constant 16 : i32
    %mul3A_30 = arith.muli %scan3A_28, %mul3A_29 : i32
    %get3A_31 = arith.index_cast %mul3A_30 : i32 to index
    %get3A_32 = tpu.vector_load %arg6[%get3A_31] {strides = array<i32>} : memref<6400xi32, #tpu.memory_space<vmem>>, vector<16xi32>,
    %mul3A_33 = arith.constant 16 : i32
    %mul3A_34 = arith.muli %scan3A_28, %mul3A_33 : i32
    %get3A_35 = arith.index_cast %mul3A_34 : i32 to index
    %get3A_36 = tpu.vector_load %arg5[%get3A_35] {strides = array<i32>} : memref<6400xf32, #tpu.memory_space<vmem>>, vector<16xf32>,
    tpu.vector_store_idx %arg7[%get3A_32], %get3A_36 {add = true} : memref<1024xf32, #tpu.memory_space<vmem>>[vector<16xi32>], vector<16xf32>,
    %scan3A_37 = arith.constant 250 : i32
    %lt3A_38 = arith.constant 15 : i32
    %lt3A_39 = arith.cmpi slt, %arg1, %lt3A_38 : i32
    %convert_element_type3A_40 = arith.extui %lt3A_39 : i1 to i32
    %cond3A_41 = arith.constant 0 : i32
    %cond3A_42 = arith.cmpi ne, %convert_element_type3A_40, %cond3A_41 : i32
    scf.if %cond3A_42 {
      %scan3A_317 = arith.constant 0 : i32
      %scan3A_318 = arith.constant 250 : i32
      %scan3A_319 = arith.constant 144 : i32
      %scan3A_320 = arith.addi %scan3A_318, %scan3A_319 : i32
      %scan3A_321 = arith.constant 8 : i32
      scf.for %scan3A_383 = %scan3A_318 to %scan3A_320 step %scan3A_321  : i32 {
        %mul3A_384 = arith.constant 16 : i32
        %mul3A_385 = arith.muli %scan3A_383, %mul3A_384 : i32
        %get3A_386 = arith.index_cast %mul3A_385 : i32 to index
        %get3A_387 = tpu.vector_load %arg6[%get3A_386] {strides = array<i32>} : memref<6400xi32, #tpu.memory_space<vmem>>, vector<16xi32>,
        %mul3A_388 = arith.constant 16 : i32
        %mul3A_389 = arith.muli %scan3A_383, %mul3A_388 : i32
        %get3A_390 = arith.index_cast %mul3A_389 : i32 to index
        %get3A_391 = tpu.vector_load %arg5[%get3A_390] {strides = array<i32>} : memref<6400xf32, #tpu.memory_space<vmem>>, vector<16xf32>,
        tpu.vector_store_idx %arg7[%get3A_387], %get3A_391 {add = true} : memref<1024xf32, #tpu.memory_space<vmem>>[vector<16xi32>], vector<16xf32>,
        %scan3A_392 = arith.constant 1 : i32
        %scan3A_393 = arith.addi %scan3A_383, %scan3A_392 : i32
        %mul3A_394 = arith.constant 16 : i32
        %mul3A_395 = arith.muli %scan3A_393, %mul3A_394 : i32
        %get3A_396 = arith.index_cast %mul3A_395 : i32 to index
        %get3A_397 = tpu.vector_load %arg6[%get3A_396] {strides = array<i32>} : memref<6400xi32, #tpu.memory_space<vmem>>, vector<16xi32>,
        %mul3A_398 = arith.constant 16 : i32
        %mul3A_399 = arith.muli %scan3A_393, %mul3A_398 : i32
        %get3A_400 = arith.index_cast %mul3A_399 : i32 to index
        %get3A_401 = tpu.vector_load %arg5[%get3A_400] {strides = array<i32>} : memref<6400xf32, #tpu.memory_space<vmem>>, vector<16xf32>,
        tpu.vector_store_idx %arg7[%get3A_397], %get3A_401 {add = true} : memref<1024xf32, #tpu.memory_space<vmem>>[vector<16xi32>], vector<16xf32>,
        %scan3A_402 = arith.constant 2 : i32
        %scan3A_403 = arith.addi %scan3A_383, %scan3A_402 : i32
        %mul3A_404 = arith.constant 16 : i32
        %mul3A_405 = arith.muli %scan3A_403, %mul3A_404 : i32
        %get3A_406 = arith.index_cast %mul3A_405 : i32 to index
        %get3A_407 = tpu.vector_load %arg6[%get3A_406] {strides = array<i32>} : memref<6400xi32, #tpu.memory_space<vmem>>, vector<16xi32>,
        %mul3A_408 = arith.constant 16 : i32
        %mul3A_409 = arith.muli %scan3A_403, %mul3A_408 : i32
        %get3A_410 = arith.index_cast %mul3A_409 : i32 to index
        %get3A_411 = tpu.vector_load %arg5[%get3A_410] {strides = array<i32>} : memref<6400xf32, #tpu.memory_space<vmem>>, vector<16xf32>,
        tpu.vector_store_idx %arg7[%get3A_407], %get3A_411 {add = true} : memref<1024xf32, #tpu.memory_space<vmem>>[vector<16xi32>], vector<16xf32>,
        %scan3A_412 = arith.constant 3 : i32
        %scan3A_413 = arith.addi %scan3A_383, %scan3A_412 : i32
        %mul3A_414 = arith.constant 16 : i32
        %mul3A_415 = arith.muli %scan3A_413, %mul3A_414 : i32
        %get3A_416 = arith.index_cast %mul3A_415 : i32 to index
        %get3A_417 = tpu.vector_load %arg6[%get3A_416] {strides = array<i32>} : memref<6400xi32, #tpu.memory_space<vmem>>, vector<16xi32>,
        %mul3A_418 = arith.constant 16 : i32
        %mul3A_419 = arith.muli %scan3A_413, %mul3A_418 : i32
        %get3A_420 = arith.index_cast %mul3A_419 : i32 to index
        %get3A_421 = tpu.vector_load %arg5[%get3A_420] {strides = array<i32>} : memref<6400xf32, #tpu.memory_space<vmem>>, vector<16xf32>,
        tpu.vector_store_idx %arg7[%get3A_417], %get3A_421 {add = true} : memref<1024xf32, #tpu.memory_space<vmem>>[vector<16xi32>], vector<16xf32>,
        %scan3A_422 = arith.constant 4 : i32
        %scan3A_423 = arith.addi %scan3A_383, %scan3A_422 : i32
        %mul3A_424 = arith.constant 16 : i32
        %mul3A_425 = arith.muli %scan3A_423, %mul3A_424 : i32
        %get3A_426 = arith.index_cast %mul3A_425 : i32 to index
        %get3A_427 = tpu.vector_load %arg6[%get3A_426] {strides = array<i32>} : memref<6400xi32, #tpu.memory_space<vmem>>, vector<16xi32>,
        %mul3A_428 = arith.constant 16 : i32
        %mul3A_429 = arith.muli %scan3A_423, %mul3A_428 : i32
        %get3A_430 = arith.index_cast %mul3A_429 : i32 to index
        %get3A_431 = tpu.vector_load %arg5[%get3A_430] {strides = array<i32>} : memref<6400xf32, #tpu.memory_space<vmem>>, vector<16xf32>,
        tpu.vector_store_idx %arg7[%get3A_427], %get3A_431 {add = true} : memref<1024xf32, #tpu.memory_space<vmem>>[vector<16xi32>], vector<16xf32>,
        %scan3A_432 = arith.constant 5 : i32
        %scan3A_433 = arith.addi %scan3A_383, %scan3A_432 : i32
        %mul3A_434 = arith.constant 16 : i32
        %mul3A_435 = arith.muli %scan3A_433, %mul3A_434 : i32
        %get3A_436 = arith.index_cast %mul3A_435 : i32 to index
        %get3A_437 = tpu.vector_load %arg6[%get3A_436] {strides = array<i32>} : memref<6400xi32, #tpu.memory_space<vmem>>, vector<16xi32>,
        %mul3A_438 = arith.constant 16 : i32
        %mul3A_439 = arith.muli %scan3A_433, %mul3A_438 : i32
        %get3A_440 = arith.index_cast %mul3A_439 : i32 to index
        %get3A_441 = tpu.vector_load %arg5[%get3A_440] {strides = array<i32>} : memref<6400xf32, #tpu.memory_space<vmem>>, vector<16xf32>,
        tpu.vector_store_idx %arg7[%get3A_437], %get3A_441 {add = true} : memref<1024xf32, #tpu.memory_space<vmem>>[vector<16xi32>], vector<16xf32>,
        %scan3A_442 = arith.constant 6 : i32
        %scan3A_443 = arith.addi %scan3A_383, %scan3A_442 : i32
        %mul3A_444 = arith.constant 16 : i32
        %mul3A_445 = arith.muli %scan3A_443, %mul3A_444 : i32
        %get3A_446 = arith.index_cast %mul3A_445 : i32 to index
        %get3A_447 = tpu.vector_load %arg6[%get3A_446] {strides = array<i32>} : memref<6400xi32, #tpu.memory_space<vmem>>, vector<16xi32>,
        %mul3A_448 = arith.constant 16 : i32
        %mul3A_449 = arith.muli %scan3A_443, %mul3A_448 : i32
        %get3A_450 = arith.index_cast %mul3A_449 : i32 to index
        %get3A_451 = tpu.vector_load %arg5[%get3A_450] {strides = array<i32>} : memref<6400xf32, #tpu.memory_space<vmem>>, vector<16xf32>,
        tpu.vector_store_idx %arg7[%get3A_447], %get3A_451 {add = true} : memref<1024xf32, #tpu.memory_space<vmem>>[vector<16xi32>], vector<16xf32>,
        %scan3A_452 = arith.constant 7 : i32
        %scan3A_453 = arith.addi %scan3A_383, %scan3A_452 : i32
        %mul3A_454 = arith.constant 16 : i32
        %mul3A_455 = arith.muli %scan3A_453, %mul3A_454 : i32
        %get3A_456 = arith.index_cast %mul3A_455 : i32 to index
        %get3A_457 = tpu.vector_load %arg6[%get3A_456] {strides = array<i32>} : memref<6400xi32, #tpu.memory_space<vmem>>, vector<16xi32>,
        %mul3A_458 = arith.constant 16 : i32
        %mul3A_459 = arith.muli %scan3A_453, %mul3A_458 : i32
        %get3A_460 = arith.index_cast %mul3A_459 : i32 to index
        %get3A_461 = tpu.vector_load %arg5[%get3A_460] {strides = array<i32>} : memref<6400xf32, #tpu.memory_space<vmem>>, vector<16xf32>,
        tpu.vector_store_idx %arg7[%get3A_457], %get3A_461 {add = true} : memref<1024xf32, #tpu.memory_space<vmem>>[vector<16xi32>], vector<16xf32>,
      }
      %scan3A_322 = arith.constant 144 : i32
      %scan3A_323 = arith.addi %scan3A_318, %scan3A_322 : i32
      %mul3A_324 = arith.constant 16 : i32
      %mul3A_325 = arith.muli %scan3A_323, %mul3A_324 : i32
      %get3A_326 = arith.index_cast %mul3A_325 : i32 to index
      %get3A_327 = tpu.vector_load %arg6[%get3A_326] {strides = array<i32>} : memref<6400xi32, #tpu.memory_space<vmem>>, vector<16xi32>,
      %mul3A_328 = arith.constant 16 : i32
      %mul3A_329 = arith.muli %scan3A_323, %mul3A_328 : i32
      %get3A_330 = arith.index_cast %mul3A_329 : i32 to index
      %get3A_331 = tpu.vector_load %arg5[%get3A_330] {strides = array<i32>} : memref<6400xf32, #tpu.memory_space<vmem>>, vector<16xf32>,
      tpu.vector_store_idx %arg7[%get3A_327], %get3A_331 {add = true} : memref<1024xf32, #tpu.memory_space<vmem>>[vector<16xi32>], vector<16xf32>,
      %scan3A_332 = arith.constant 145 : i32
      %scan3A_333 = arith.addi %scan3A_318, %scan3A_332 : i32
      %mul3A_334 = arith.constant 16 : i32
      %mul3A_335 = arith.muli %scan3A_333, %mul3A_334 : i32
      %get3A_336 = arith.index_cast %mul3A_335 : i32 to index
      %get3A_337 = tpu.vector_load %arg6[%get3A_336] {strides = array<i32>} : memref<6400xi32, #tpu.memory_space<vmem>>, vector<16xi32>,
      %mul3A_338 = arith.constant 16 : i32
      %mul3A_339 = arith.muli %scan3A_333, %mul3A_338 : i32
      %get3A_340 = arith.index_cast %mul3A_339 : i32 to index
      %get3A_341 = tpu.vector_load %arg5[%get3A_340] {strides = array<i32>} : memref<6400xf32, #tpu.memory_space<vmem>>, vector<16xf32>,
      tpu.vector_store_idx %arg7[%get3A_337], %get3A_341 {add = true} : memref<1024xf32, #tpu.memory_space<vmem>>[vector<16xi32>], vector<16xf32>,
      %scan3A_342 = arith.constant 146 : i32
      %scan3A_343 = arith.addi %scan3A_318, %scan3A_342 : i32
      %mul3A_344 = arith.constant 16 : i32
      %mul3A_345 = arith.muli %scan3A_343, %mul3A_344 : i32
      %get3A_346 = arith.index_cast %mul3A_345 : i32 to index
      %get3A_347 = tpu.vector_load %arg6[%get3A_346] {strides = array<i32>} : memref<6400xi32, #tpu.memory_space<vmem>>, vector<16xi32>,
      %mul3A_348 = arith.constant 16 : i32
      %mul3A_349 = arith.muli %scan3A_343, %mul3A_348 : i32
      %get3A_350 = arith.index_cast %mul3A_349 : i32 to index
      %get3A_351 = tpu.vector_load %arg5[%get3A_350] {strides = array<i32>} : memref<6400xf32, #tpu.memory_space<vmem>>, vector<16xf32>,
      tpu.vector_store_idx %arg7[%get3A_347], %get3A_351 {add = true} : memref<1024xf32, #tpu.memory_space<vmem>>[vector<16xi32>], vector<16xf32>,
      %scan3A_352 = arith.constant 147 : i32
      %scan3A_353 = arith.addi %scan3A_318, %scan3A_352 : i32
      %mul3A_354 = arith.constant 16 : i32
      %mul3A_355 = arith.muli %scan3A_353, %mul3A_354 : i32
      %get3A_356 = arith.index_cast %mul3A_355 : i32 to index
      %get3A_357 = tpu.vector_load %arg6[%get3A_356] {strides = array<i32>} : memref<6400xi32, #tpu.memory_space<vmem>>, vector<16xi32>,
      %mul3A_358 = arith.constant 16 : i32
      %mul3A_359 = arith.muli %scan3A_353, %mul3A_358 : i32
      %get3A_360 = arith.index_cast %mul3A_359 : i32 to index
      %get3A_361 = tpu.vector_load %arg5[%get3A_360] {strides = array<i32>} : memref<6400xf32, #tpu.memory_space<vmem>>, vector<16xf32>,
      tpu.vector_store_idx %arg7[%get3A_357], %get3A_361 {add = true} : memref<1024xf32, #tpu.memory_space<vmem>>[vector<16xi32>], vector<16xf32>,
      %scan3A_362 = arith.constant 148 : i32
      %scan3A_363 = arith.addi %scan3A_318, %scan3A_362 : i32
      %mul3A_364 = arith.constant 16 : i32
      %mul3A_365 = arith.muli %scan3A_363, %mul3A_364 : i32
      %get3A_366 = arith.index_cast %mul3A_365 : i32 to index
      %get3A_367 = tpu.vector_load %arg6[%get3A_366] {strides = array<i32>} : memref<6400xi32, #tpu.memory_space<vmem>>, vector<16xi32>,
      %mul3A_368 = arith.constant 16 : i32
      %mul3A_369 = arith.muli %scan3A_363, %mul3A_368 : i32
      %get3A_370 = arith.index_cast %mul3A_369 : i32 to index
      %get3A_371 = tpu.vector_load %arg5[%get3A_370] {strides = array<i32>} : memref<6400xf32, #tpu.memory_space<vmem>>, vector<16xf32>,
      tpu.vector_store_idx %arg7[%get3A_367], %get3A_371 {add = true} : memref<1024xf32, #tpu.memory_space<vmem>>[vector<16xi32>], vector<16xf32>,
      %scan3A_372 = arith.constant 149 : i32
      %scan3A_373 = arith.addi %scan3A_318, %scan3A_372 : i32
      %mul3A_374 = arith.constant 16 : i32
      %mul3A_375 = arith.muli %scan3A_373, %mul3A_374 : i32
      %get3A_376 = arith.index_cast %mul3A_375 : i32 to index
      %get3A_377 = tpu.vector_load %arg6[%get3A_376] {strides = array<i32>} : memref<6400xi32, #tpu.memory_space<vmem>>, vector<16xi32>,
      %mul3A_378 = arith.constant 16 : i32
      %mul3A_379 = arith.muli %scan3A_373, %mul3A_378 : i32
      %get3A_380 = arith.index_cast %mul3A_379 : i32 to index
      %get3A_381 = tpu.vector_load %arg5[%get3A_380] {strides = array<i32>} : memref<6400xf32, #tpu.memory_space<vmem>>, vector<16xf32>,
      tpu.vector_store_idx %arg7[%get3A_377], %get3A_381 {add = true} : memref<1024xf32, #tpu.memory_space<vmem>>[vector<16xi32>], vector<16xf32>,
      %scan3A_382 = arith.constant 150 : i32
    } else {
    }
    %mul3A_43 = arith.constant 1024 : i32
    %mul3A_44 = arith.muli %arg1, %mul3A_43 : i32
    "tpu.region"() ({
      %run_scoped3A = tpu.sem_alloc : memref<!tpu.dma_semaphore, #tpu.memory_space<semaphore_mem>>
      %dma_start3A = tpu.memref_slice %arg8[%mul3A_44] : memref<16384xf32, #tpu.memory_space<vmem_shared>> -> memref<1024xf32, #tpu.memory_space<vmem_shared>>
      %dma_start3A_317 = tpu.memref_slice %arg8[%mul3A_44] : memref<16384xf32, #tpu.memory_space<vmem_shared>> -> memref<1024xf32, #tpu.memory_space<vmem_shared>>
      tpu.enqueue_dma source(%arg7 : memref<1024xf32, #tpu.memory_space<vmem>>) target(%dma_start3A_317 : memref<1024xf32, #tpu.memory_space<vmem_shared>>) target_semaphore(%run_scoped3A : memref<!tpu.dma_semaphore, #tpu.memory_space<semaphore_mem>>)
      %dma_wait3A = tpu.memref_slice %arg8[%mul3A_44] : memref<16384xf32, #tpu.memory_space<vmem_shared>> -> memref<1024xf32, #tpu.memory_space<vmem_shared>>
      %dma_wait3A_318 = tpu.memref_slice %arg8[%mul3A_44] : memref<16384xf32, #tpu.memory_space<vmem_shared>> -> memref<1024xf32, #tpu.memory_space<vmem_shared>>
      tpu.wait_dma2 semaphore(%run_scoped3A : memref<!tpu.dma_semaphore, #tpu.memory_space<semaphore_mem>>) src(%arg7 : memref<1024xf32, #tpu.memory_space<vmem>>) dst(%dma_wait3A_318 : memref<1024xf32, #tpu.memory_space<vmem_shared>>)
      tpu.yield
    }) : () -> ()
    %barrier3A = arith.constant 0 : index
    tpu.barrier barrier_id(%barrier3A)
    %mul3A_45 = arith.constant 64 : i32
    %mul3A_46 = arith.muli %arg1, %mul3A_45 : i32
    %add3A = arith.constant 0 : i32
    %add3A_47 = arith.addi %add3A, %mul3A_46 : i32
    "tpu.region"() ({
      %run_scoped3A = tpu.sem_alloc : memref<!tpu.dma_semaphore, #tpu.memory_space<semaphore_mem>>
      %dma_start3A = arith.constant 0 : i32
      %dma_start3A_317 = tpu.memref_slice %arg9[%dma_start3A] : memref<1024xf32, #tpu.memory_space<vmem>> -> memref<64xf32, #tpu.memory_space<vmem>>
      %dma_start3A_318 = tpu.memref_slice %arg8[%add3A_47] : memref<16384xf32, #tpu.memory_space<vmem_shared>> -> memref<64xf32, #tpu.memory_space<vmem_shared>>
      %dma_start3A_319 = arith.constant 0 : i32
      %dma_start3A_320 = tpu.memref_slice %arg9[%dma_start3A_319] : memref<1024xf32, #tpu.memory_space<vmem>> -> memref<64xf32, #tpu.memory_space<vmem>>
      %dma_start3A_321 = tpu.memref_slice %arg8[%add3A_47] : memref<16384xf32, #tpu.memory_space<vmem_shared>> -> memref<64xf32, #tpu.memory_space<vmem_shared>>
      tpu.enqueue_dma source(%dma_start3A_321 : memref<64xf32, #tpu.memory_space<vmem_shared>>) target(%dma_start3A_320 : memref<64xf32, #tpu.memory_space<vmem>>) target_semaphore(%run_scoped3A : memref<!tpu.dma_semaphore, #tpu.memory_space<semaphore_mem>>)
      %dma_wait3A = arith.constant 0 : i32
      %dma_wait3A_322 = tpu.memref_slice %arg9[%dma_wait3A] : memref<1024xf32, #tpu.memory_space<vmem>> -> memref<64xf32, #tpu.memory_space<vmem>>
      %dma_wait3A_323 = tpu.memref_slice %arg8[%add3A_47] : memref<16384xf32, #tpu.memory_space<vmem_shared>> -> memref<64xf32, #tpu.memory_space<vmem_shared>>
      %dma_wait3A_324 = arith.constant 0 : i32
      %dma_wait3A_325 = tpu.memref_slice %arg9[%dma_wait3A_324] : memref<1024xf32, #tpu.memory_space<vmem>> -> memref<64xf32, #tpu.memory_space<vmem>>
      %dma_wait3A_326 = tpu.memref_slice %arg8[%add3A_47] : memref<16384xf32, #tpu.memory_space<vmem_shared>> -> memref<64xf32, #tpu.memory_space<vmem_shared>>
      tpu.wait_dma2 semaphore(%run_scoped3A : memref<!tpu.dma_semaphore, #tpu.memory_space<semaphore_mem>>) src(%dma_wait3A_326 : memref<64xf32, #tpu.memory_space<vmem_shared>>) dst(%dma_wait3A_325 : memref<64xf32, #tpu.memory_space<vmem>>)
      tpu.yield
    }) : () -> ()
    %mul3A_48 = arith.constant 64 : i32
    %mul3A_49 = arith.muli %arg1, %mul3A_48 : i32
    %add3A_50 = arith.constant 1024 : i32
    %add3A_51 = arith.addi %add3A_50, %mul3A_49 : i32
    "tpu.region"() ({
      %run_scoped3A = tpu.sem_alloc : memref<!tpu.dma_semaphore, #tpu.memory_space<semaphore_mem>>
      %dma_start3A = arith.constant 64 : i32
      %dma_start3A_317 = tpu.memref_slice %arg9[%dma_start3A] : memref<1024xf32, #tpu.memory_space<vmem>> -> memref<64xf32, #tpu.memory_space<vmem>>
      %dma_start3A_318 = tpu.memref_slice %arg8[%add3A_51] : memref<16384xf32, #tpu.memory_space<vmem_shared>> -> memref<64xf32, #tpu.memory_space<vmem_shared>>
      %dma_start3A_319 = arith.constant 64 : i32
      %dma_start3A_320 = tpu.memref_slice %arg9[%dma_start3A_319] : memref<1024xf32, #tpu.memory_space<vmem>> -> memref<64xf32, #tpu.memory_space<vmem>>
      %dma_start3A_321 = tpu.memref_slice %arg8[%add3A_51] : memref<16384xf32, #tpu.memory_space<vmem_shared>> -> memref<64xf32, #tpu.memory_space<vmem_shared>>
      tpu.enqueue_dma source(%dma_start3A_321 : memref<64xf32, #tpu.memory_space<vmem_shared>>) target(%dma_start3A_320 : memref<64xf32, #tpu.memory_space<vmem>>) target_semaphore(%run_scoped3A : memref<!tpu.dma_semaphore, #tpu.memory_space<semaphore_mem>>)
      %dma_wait3A = arith.constant 64 : i32
      %dma_wait3A_322 = tpu.memref_slice %arg9[%dma_wait3A] : memref<1024xf32, #tpu.memory_space<vmem>> -> memref<64xf32, #tpu.memory_space<vmem>>
      %dma_wait3A_323 = tpu.memref_slice %arg8[%add3A_51] : memref<16384xf32, #tpu.memory_space<vmem_shared>> -> memref<64xf32, #tpu.memory_space<vmem_shared>>
      %dma_wait3A_324 = arith.constant 64 : i32
      %dma_wait3A_325 = tpu.memref_slice %arg9[%dma_wait3A_324] : memref<1024xf32, #tpu.memory_space<vmem>> -> memref<64xf32, #tpu.memory_space<vmem>>
      %dma_wait3A_326 = tpu.memref_slice %arg8[%add3A_51] : memref<16384xf32, #tpu.memory_space<vmem_shared>> -> memref<64xf32, #tpu.memory_space<vmem_shared>>
      tpu.wait_dma2 semaphore(%run_scoped3A : memref<!tpu.dma_semaphore, #tpu.memory_space<semaphore_mem>>) src(%dma_wait3A_326 : memref<64xf32, #tpu.memory_space<vmem_shared>>) dst(%dma_wait3A_325 : memref<64xf32, #tpu.memory_space<vmem>>)
      tpu.yield
    }) : () -> ()
    %mul3A_52 = arith.constant 64 : i32
    %mul3A_53 = arith.muli %arg1, %mul3A_52 : i32
    %add3A_54 = arith.constant 2048 : i32
    %add3A_55 = arith.addi %add3A_54, %mul3A_53 : i32
    "tpu.region"() ({
      %run_scoped3A = tpu.sem_alloc : memref<!tpu.dma_semaphore, #tpu.memory_space<semaphore_mem>>
      %dma_start3A = arith.constant 128 : i32
      %dma_start3A_317 = tpu.memref_slice %arg9[%dma_start3A] : memref<1024xf32, #tpu.memory_space<vmem>> -> memref<64xf32, #tpu.memory_space<vmem>>
      %dma_start3A_318 = tpu.memref_slice %arg8[%add3A_55] : memref<16384xf32, #tpu.memory_space<vmem_shared>> -> memref<64xf32, #tpu.memory_space<vmem_shared>>
      %dma_start3A_319 = arith.constant 128 : i32
      %dma_start3A_320 = tpu.memref_slice %arg9[%dma_start3A_319] : memref<1024xf32, #tpu.memory_space<vmem>> -> memref<64xf32, #tpu.memory_space<vmem>>
      %dma_start3A_321 = tpu.memref_slice %arg8[%add3A_55] : memref<16384xf32, #tpu.memory_space<vmem_shared>> -> memref<64xf32, #tpu.memory_space<vmem_shared>>
      tpu.enqueue_dma source(%dma_start3A_321 : memref<64xf32, #tpu.memory_space<vmem_shared>>) target(%dma_start3A_320 : memref<64xf32, #tpu.memory_space<vmem>>) target_semaphore(%run_scoped3A : memref<!tpu.dma_semaphore, #tpu.memory_space<semaphore_mem>>)
      %dma_wait3A = arith.constant 128 : i32
      %dma_wait3A_322 = tpu.memref_slice %arg9[%dma_wait3A] : memref<1024xf32, #tpu.memory_space<vmem>> -> memref<64xf32, #tpu.memory_space<vmem>>
      %dma_wait3A_323 = tpu.memref_slice %arg8[%add3A_55] : memref<16384xf32, #tpu.memory_space<vmem_shared>> -> memref<64xf32, #tpu.memory_space<vmem_shared>>
      %dma_wait3A_324 = arith.constant 128 : i32
      %dma_wait3A_325 = tpu.memref_slice %arg9[%dma_wait3A_324] : memref<1024xf32, #tpu.memory_space<vmem>> -> memref<64xf32, #tpu.memory_space<vmem>>
      %dma_wait3A_326 = tpu.memref_slice %arg8[%add3A_55] : memref<16384xf32, #tpu.memory_space<vmem_shared>> -> memref<64xf32, #tpu.memory_space<vmem_shared>>
      tpu.wait_dma2 semaphore(%run_scoped3A : memref<!tpu.dma_semaphore, #tpu.memory_space<semaphore_mem>>) src(%dma_wait3A_326 : memref<64xf32, #tpu.memory_space<vmem_shared>>) dst(%dma_wait3A_325 : memref<64xf32, #tpu.memory_space<vmem>>)
      tpu.yield
    }) : () -> ()
    %mul3A_56 = arith.constant 64 : i32
    %mul3A_57 = arith.muli %arg1, %mul3A_56 : i32
    %add3A_58 = arith.constant 3072 : i32
    %add3A_59 = arith.addi %add3A_58, %mul3A_57 : i32
    "tpu.region"() ({
      %run_scoped3A = tpu.sem_alloc : memref<!tpu.dma_semaphore, #tpu.memory_space<semaphore_mem>>
      %dma_start3A = arith.constant 192 : i32
      %dma_start3A_317 = tpu.memref_slice %arg9[%dma_start3A] : memref<1024xf32, #tpu.memory_space<vmem>> -> memref<64xf32, #tpu.memory_space<vmem>>
      %dma_start3A_318 = tpu.memref_slice %arg8[%add3A_59] : memref<16384xf32, #tpu.memory_space<vmem_shared>> -> memref<64xf32, #tpu.memory_space<vmem_shared>>
      %dma_start3A_319 = arith.constant 192 : i32
      %dma_start3A_320 = tpu.memref_slice %arg9[%dma_start3A_319] : memref<1024xf32, #tpu.memory_space<vmem>> -> memref<64xf32, #tpu.memory_space<vmem>>
      %dma_start3A_321 = tpu.memref_slice %arg8[%add3A_59] : memref<16384xf32, #tpu.memory_space<vmem_shared>> -> memref<64xf32, #tpu.memory_space<vmem_shared>>
      tpu.enqueue_dma source(%dma_start3A_321 : memref<64xf32, #tpu.memory_space<vmem_shared>>) target(%dma_start3A_320 : memref<64xf32, #tpu.memory_space<vmem>>) target_semaphore(%run_scoped3A : memref<!tpu.dma_semaphore, #tpu.memory_space<semaphore_mem>>)
      %dma_wait3A = arith.constant 192 : i32
      %dma_wait3A_322 = tpu.memref_slice %arg9[%dma_wait3A] : memref<1024xf32, #tpu.memory_space<vmem>> -> memref<64xf32, #tpu.memory_space<vmem>>
      %dma_wait3A_323 = tpu.memref_slice %arg8[%add3A_59] : memref<16384xf32, #tpu.memory_space<vmem_shared>> -> memref<64xf32, #tpu.memory_space<vmem_shared>>
      %dma_wait3A_324 = arith.constant 192 : i32
      %dma_wait3A_325 = tpu.memref_slice %arg9[%dma_wait3A_324] : memref<1024xf32, #tpu.memory_space<vmem>> -> memref<64xf32, #tpu.memory_space<vmem>>
      %dma_wait3A_326 = tpu.memref_slice %arg8[%add3A_59] : memref<16384xf32, #tpu.memory_space<vmem_shared>> -> memref<64xf32, #tpu.memory_space<vmem_shared>>
      tpu.wait_dma2 semaphore(%run_scoped3A : memref<!tpu.dma_semaphore, #tpu.memory_space<semaphore_mem>>) src(%dma_wait3A_326 : memref<64xf32, #tpu.memory_space<vmem_shared>>) dst(%dma_wait3A_325 : memref<64xf32, #tpu.memory_space<vmem>>)
      tpu.yield
    }) : () -> ()
    %mul3A_60 = arith.constant 64 : i32
    %mul3A_61 = arith.muli %arg1, %mul3A_60 : i32
    %add3A_62 = arith.constant 4096 : i32
    %add3A_63 = arith.addi %add3A_62, %mul3A_61 : i32
    "tpu.region"() ({
      %run_scoped3A = tpu.sem_alloc : memref<!tpu.dma_semaphore, #tpu.memory_space<semaphore_mem>>
      %dma_start3A = arith.constant 256 : i32
      %dma_start3A_317 = tpu.memref_slice %arg9[%dma_start3A] : memref<1024xf32, #tpu.memory_space<vmem>> -> memref<64xf32, #tpu.memory_space<vmem>>
      %dma_start3A_318 = tpu.memref_slice %arg8[%add3A_63] : memref<16384xf32, #tpu.memory_space<vmem_shared>> -> memref<64xf32, #tpu.memory_space<vmem_shared>>
      %dma_start3A_319 = arith.constant 256 : i32
      %dma_start3A_320 = tpu.memref_slice %arg9[%dma_start3A_319] : memref<1024xf32, #tpu.memory_space<vmem>> -> memref<64xf32, #tpu.memory_space<vmem>>
      %dma_start3A_321 = tpu.memref_slice %arg8[%add3A_63] : memref<16384xf32, #tpu.memory_space<vmem_shared>> -> memref<64xf32, #tpu.memory_space<vmem_shared>>
      tpu.enqueue_dma source(%dma_start3A_321 : memref<64xf32, #tpu.memory_space<vmem_shared>>) target(%dma_start3A_320 : memref<64xf32, #tpu.memory_space<vmem>>) target_semaphore(%run_scoped3A : memref<!tpu.dma_semaphore, #tpu.memory_space<semaphore_mem>>)
      %dma_wait3A = arith.constant 256 : i32
      %dma_wait3A_322 = tpu.memref_slice %arg9[%dma_wait3A] : memref<1024xf32, #tpu.memory_space<vmem>> -> memref<64xf32, #tpu.memory_space<vmem>>
      %dma_wait3A_323 = tpu.memref_slice %arg8[%add3A_63] : memref<16384xf32, #tpu.memory_space<vmem_shared>> -> memref<64xf32, #tpu.memory_space<vmem_shared>>
      %dma_wait3A_324 = arith.constant 256 : i32
      %dma_wait3A_325 = tpu.memref_slice %arg9[%dma_wait3A_324] : memref<1024xf32, #tpu.memory_space<vmem>> -> memref<64xf32, #tpu.memory_space<vmem>>
      %dma_wait3A_326 = tpu.memref_slice %arg8[%add3A_63] : memref<16384xf32, #tpu.memory_space<vmem_shared>> -> memref<64xf32, #tpu.memory_space<vmem_shared>>
      tpu.wait_dma2 semaphore(%run_scoped3A : memref<!tpu.dma_semaphore, #tpu.memory_space<semaphore_mem>>) src(%dma_wait3A_326 : memref<64xf32, #tpu.memory_space<vmem_shared>>) dst(%dma_wait3A_325 : memref<64xf32, #tpu.memory_space<vmem>>)
      tpu.yield
    }) : () -> ()
    %mul3A_64 = arith.constant 64 : i32
    %mul3A_65 = arith.muli %arg1, %mul3A_64 : i32
    %add3A_66 = arith.constant 5120 : i32
    %add3A_67 = arith.addi %add3A_66, %mul3A_65 : i32
    "tpu.region"() ({
      %run_scoped3A = tpu.sem_alloc : memref<!tpu.dma_semaphore, #tpu.memory_space<semaphore_mem>>
      %dma_start3A = arith.constant 320 : i32
      %dma_start3A_317 = tpu.memref_slice %arg9[%dma_start3A] : memref<1024xf32, #tpu.memory_space<vmem>> -> memref<64xf32, #tpu.memory_space<vmem>>
      %dma_start3A_318 = tpu.memref_slice %arg8[%add3A_67] : memref<16384xf32, #tpu.memory_space<vmem_shared>> -> memref<64xf32, #tpu.memory_space<vmem_shared>>
      %dma_start3A_319 = arith.constant 320 : i32
      %dma_start3A_320 = tpu.memref_slice %arg9[%dma_start3A_319] : memref<1024xf32, #tpu.memory_space<vmem>> -> memref<64xf32, #tpu.memory_space<vmem>>
      %dma_start3A_321 = tpu.memref_slice %arg8[%add3A_67] : memref<16384xf32, #tpu.memory_space<vmem_shared>> -> memref<64xf32, #tpu.memory_space<vmem_shared>>
      tpu.enqueue_dma source(%dma_start3A_321 : memref<64xf32, #tpu.memory_space<vmem_shared>>) target(%dma_start3A_320 : memref<64xf32, #tpu.memory_space<vmem>>) target_semaphore(%run_scoped3A : memref<!tpu.dma_semaphore, #tpu.memory_space<semaphore_mem>>)
      %dma_wait3A = arith.constant 320 : i32
      %dma_wait3A_322 = tpu.memref_slice %arg9[%dma_wait3A] : memref<1024xf32, #tpu.memory_space<vmem>> -> memref<64xf32, #tpu.memory_space<vmem>>
      %dma_wait3A_323 = tpu.memref_slice %arg8[%add3A_67] : memref<16384xf32, #tpu.memory_space<vmem_shared>> -> memref<64xf32, #tpu.memory_space<vmem_shared>>
      %dma_wait3A_324 = arith.constant 320 : i32
      %dma_wait3A_325 = tpu.memref_slice %arg9[%dma_wait3A_324] : memref<1024xf32, #tpu.memory_space<vmem>> -> memref<64xf32, #tpu.memory_space<vmem>>
      %dma_wait3A_326 = tpu.memref_slice %arg8[%add3A_67] : memref<16384xf32, #tpu.memory_space<vmem_shared>> -> memref<64xf32, #tpu.memory_space<vmem_shared>>
      tpu.wait_dma2 semaphore(%run_scoped3A : memref<!tpu.dma_semaphore, #tpu.memory_space<semaphore_mem>>) src(%dma_wait3A_326 : memref<64xf32, #tpu.memory_space<vmem_shared>>) dst(%dma_wait3A_325 : memref<64xf32, #tpu.memory_space<vmem>>)
      tpu.yield
    }) : () -> ()
    %mul3A_68 = arith.constant 64 : i32
    %mul3A_69 = arith.muli %arg1, %mul3A_68 : i32
    %add3A_70 = arith.constant 6144 : i32
    %add3A_71 = arith.addi %add3A_70, %mul3A_69 : i32
    "tpu.region"() ({
      %run_scoped3A = tpu.sem_alloc : memref<!tpu.dma_semaphore, #tpu.memory_space<semaphore_mem>>
      %dma_start3A = arith.constant 384 : i32
      %dma_start3A_317 = tpu.memref_slice %arg9[%dma_start3A] : memref<1024xf32, #tpu.memory_space<vmem>> -> memref<64xf32, #tpu.memory_space<vmem>>
      %dma_start3A_318 = tpu.memref_slice %arg8[%add3A_71] : memref<16384xf32, #tpu.memory_space<vmem_shared>> -> memref<64xf32, #tpu.memory_space<vmem_shared>>
      %dma_start3A_319 = arith.constant 384 : i32
      %dma_start3A_320 = tpu.memref_slice %arg9[%dma_start3A_319] : memref<1024xf32, #tpu.memory_space<vmem>> -> memref<64xf32, #tpu.memory_space<vmem>>
      %dma_start3A_321 = tpu.memref_slice %arg8[%add3A_71] : memref<16384xf32, #tpu.memory_space<vmem_shared>> -> memref<64xf32, #tpu.memory_space<vmem_shared>>
      tpu.enqueue_dma source(%dma_start3A_321 : memref<64xf32, #tpu.memory_space<vmem_shared>>) target(%dma_start3A_320 : memref<64xf32, #tpu.memory_space<vmem>>) target_semaphore(%run_scoped3A : memref<!tpu.dma_semaphore, #tpu.memory_space<semaphore_mem>>)
      %dma_wait3A = arith.constant 384 : i32
      %dma_wait3A_322 = tpu.memref_slice %arg9[%dma_wait3A] : memref<1024xf32, #tpu.memory_space<vmem>> -> memref<64xf32, #tpu.memory_space<vmem>>
      %dma_wait3A_323 = tpu.memref_slice %arg8[%add3A_71] : memref<16384xf32, #tpu.memory_space<vmem_shared>> -> memref<64xf32, #tpu.memory_space<vmem_shared>>
      %dma_wait3A_324 = arith.constant 384 : i32
      %dma_wait3A_325 = tpu.memref_slice %arg9[%dma_wait3A_324] : memref<1024xf32, #tpu.memory_space<vmem>> -> memref<64xf32, #tpu.memory_space<vmem>>
      %dma_wait3A_326 = tpu.memref_slice %arg8[%add3A_71] : memref<16384xf32, #tpu.memory_space<vmem_shared>> -> memref<64xf32, #tpu.memory_space<vmem_shared>>
      tpu.wait_dma2 semaphore(%run_scoped3A : memref<!tpu.dma_semaphore, #tpu.memory_space<semaphore_mem>>) src(%dma_wait3A_326 : memref<64xf32, #tpu.memory_space<vmem_shared>>) dst(%dma_wait3A_325 : memref<64xf32, #tpu.memory_space<vmem>>)
      tpu.yield
    }) : () -> ()
    %mul3A_72 = arith.constant 64 : i32
    %mul3A_73 = arith.muli %arg1, %mul3A_72 : i32
    %add3A_74 = arith.constant 7168 : i32
    %add3A_75 = arith.addi %add3A_74, %mul3A_73 : i32
    "tpu.region"() ({
      %run_scoped3A = tpu.sem_alloc : memref<!tpu.dma_semaphore, #tpu.memory_space<semaphore_mem>>
      %dma_start3A = arith.constant 448 : i32
      %dma_start3A_317 = tpu.memref_slice %arg9[%dma_start3A] : memref<1024xf32, #tpu.memory_space<vmem>> -> memref<64xf32, #tpu.memory_space<vmem>>
      %dma_start3A_318 = tpu.memref_slice %arg8[%add3A_75] : memref<16384xf32, #tpu.memory_space<vmem_shared>> -> memref<64xf32, #tpu.memory_space<vmem_shared>>
      %dma_start3A_319 = arith.constant 448 : i32
      %dma_start3A_320 = tpu.memref_slice %arg9[%dma_start3A_319] : memref<1024xf32, #tpu.memory_space<vmem>> -> memref<64xf32, #tpu.memory_space<vmem>>
      %dma_start3A_321 = tpu.memref_slice %arg8[%add3A_75] : memref<16384xf32, #tpu.memory_space<vmem_shared>> -> memref<64xf32, #tpu.memory_space<vmem_shared>>
      tpu.enqueue_dma source(%dma_start3A_321 : memref<64xf32, #tpu.memory_space<vmem_shared>>) target(%dma_start3A_320 : memref<64xf32, #tpu.memory_space<vmem>>) target_semaphore(%run_scoped3A : memref<!tpu.dma_semaphore, #tpu.memory_space<semaphore_mem>>)
      %dma_wait3A = arith.constant 448 : i32
      %dma_wait3A_322 = tpu.memref_slice %arg9[%dma_wait3A] : memref<1024xf32, #tpu.memory_space<vmem>> -> memref<64xf32, #tpu.memory_space<vmem>>
      %dma_wait3A_323 = tpu.memref_slice %arg8[%add3A_75] : memref<16384xf32, #tpu.memory_space<vmem_shared>> -> memref<64xf32, #tpu.memory_space<vmem_shared>>
      %dma_wait3A_324 = arith.constant 448 : i32
      %dma_wait3A_325 = tpu.memref_slice %arg9[%dma_wait3A_324] : memref<1024xf32, #tpu.memory_space<vmem>> -> memref<64xf32, #tpu.memory_space<vmem>>
      %dma_wait3A_326 = tpu.memref_slice %arg8[%add3A_75] : memref<16384xf32, #tpu.memory_space<vmem_shared>> -> memref<64xf32, #tpu.memory_space<vmem_shared>>
      tpu.wait_dma2 semaphore(%run_scoped3A : memref<!tpu.dma_semaphore, #tpu.memory_space<semaphore_mem>>) src(%dma_wait3A_326 : memref<64xf32, #tpu.memory_space<vmem_shared>>) dst(%dma_wait3A_325 : memref<64xf32, #tpu.memory_space<vmem>>)
      tpu.yield
    }) : () -> ()
    %mul3A_76 = arith.constant 64 : i32
    %mul3A_77 = arith.muli %arg1, %mul3A_76 : i32
    %add3A_78 = arith.constant 8192 : i32
    %add3A_79 = arith.addi %add3A_78, %mul3A_77 : i32
    "tpu.region"() ({
      %run_scoped3A = tpu.sem_alloc : memref<!tpu.dma_semaphore, #tpu.memory_space<semaphore_mem>>
      %dma_start3A = arith.constant 512 : i32
      %dma_start3A_317 = tpu.memref_slice %arg9[%dma_start3A] : memref<1024xf32, #tpu.memory_space<vmem>> -> memref<64xf32, #tpu.memory_space<vmem>>
      %dma_start3A_318 = tpu.memref_slice %arg8[%add3A_79] : memref<16384xf32, #tpu.memory_space<vmem_shared>> -> memref<64xf32, #tpu.memory_space<vmem_shared>>
      %dma_start3A_319 = arith.constant 512 : i32
      %dma_start3A_320 = tpu.memref_slice %arg9[%dma_start3A_319] : memref<1024xf32, #tpu.memory_space<vmem>> -> memref<64xf32, #tpu.memory_space<vmem>>
      %dma_start3A_321 = tpu.memref_slice %arg8[%add3A_79] : memref<16384xf32, #tpu.memory_space<vmem_shared>> -> memref<64xf32, #tpu.memory_space<vmem_shared>>
      tpu.enqueue_dma source(%dma_start3A_321 : memref<64xf32, #tpu.memory_space<vmem_shared>>) target(%dma_start3A_320 : memref<64xf32, #tpu.memory_space<vmem>>) target_semaphore(%run_scoped3A : memref<!tpu.dma_semaphore, #tpu.memory_space<semaphore_mem>>)
      %dma_wait3A = arith.constant 512 : i32
      %dma_wait3A_322 = tpu.memref_slice %arg9[%dma_wait3A] : memref<1024xf32, #tpu.memory_space<vmem>> -> memref<64xf32, #tpu.memory_space<vmem>>
      %dma_wait3A_323 = tpu.memref_slice %arg8[%add3A_79] : memref<16384xf32, #tpu.memory_space<vmem_shared>> -> memref<64xf32, #tpu.memory_space<vmem_shared>>
      %dma_wait3A_324 = arith.constant 512 : i32
      %dma_wait3A_325 = tpu.memref_slice %arg9[%dma_wait3A_324] : memref<1024xf32, #tpu.memory_space<vmem>> -> memref<64xf32, #tpu.memory_space<vmem>>
      %dma_wait3A_326 = tpu.memref_slice %arg8[%add3A_79] : memref<16384xf32, #tpu.memory_space<vmem_shared>> -> memref<64xf32, #tpu.memory_space<vmem_shared>>
      tpu.wait_dma2 semaphore(%run_scoped3A : memref<!tpu.dma_semaphore, #tpu.memory_space<semaphore_mem>>) src(%dma_wait3A_326 : memref<64xf32, #tpu.memory_space<vmem_shared>>) dst(%dma_wait3A_325 : memref<64xf32, #tpu.memory_space<vmem>>)
      tpu.yield
    }) : () -> ()
    %mul3A_80 = arith.constant 64 : i32
    %mul3A_81 = arith.muli %arg1, %mul3A_80 : i32
    %add3A_82 = arith.constant 9216 : i32
    %add3A_83 = arith.addi %add3A_82, %mul3A_81 : i32
    "tpu.region"() ({
      %run_scoped3A = tpu.sem_alloc : memref<!tpu.dma_semaphore, #tpu.memory_space<semaphore_mem>>
      %dma_start3A = arith.constant 576 : i32
      %dma_start3A_317 = tpu.memref_slice %arg9[%dma_start3A] : memref<1024xf32, #tpu.memory_space<vmem>> -> memref<64xf32, #tpu.memory_space<vmem>>
      %dma_start3A_318 = tpu.memref_slice %arg8[%add3A_83] : memref<16384xf32, #tpu.memory_space<vmem_shared>> -> memref<64xf32, #tpu.memory_space<vmem_shared>>
      %dma_start3A_319 = arith.constant 576 : i32
      %dma_start3A_320 = tpu.memref_slice %arg9[%dma_start3A_319] : memref<1024xf32, #tpu.memory_space<vmem>> -> memref<64xf32, #tpu.memory_space<vmem>>
      %dma_start3A_321 = tpu.memref_slice %arg8[%add3A_83] : memref<16384xf32, #tpu.memory_space<vmem_shared>> -> memref<64xf32, #tpu.memory_space<vmem_shared>>
      tpu.enqueue_dma source(%dma_start3A_321 : memref<64xf32, #tpu.memory_space<vmem_shared>>) target(%dma_start3A_320 : memref<64xf32, #tpu.memory_space<vmem>>) target_semaphore(%run_scoped3A : memref<!tpu.dma_semaphore, #tpu.memory_space<semaphore_mem>>)
      %dma_wait3A = arith.constant 576 : i32
      %dma_wait3A_322 = tpu.memref_slice %arg9[%dma_wait3A] : memref<1024xf32, #tpu.memory_space<vmem>> -> memref<64xf32, #tpu.memory_space<vmem>>
      %dma_wait3A_323 = tpu.memref_slice %arg8[%add3A_83] : memref<16384xf32, #tpu.memory_space<vmem_shared>> -> memref<64xf32, #tpu.memory_space<vmem_shared>>
      %dma_wait3A_324 = arith.constant 576 : i32
      %dma_wait3A_325 = tpu.memref_slice %arg9[%dma_wait3A_324] : memref<1024xf32, #tpu.memory_space<vmem>> -> memref<64xf32, #tpu.memory_space<vmem>>
      %dma_wait3A_326 = tpu.memref_slice %arg8[%add3A_83] : memref<16384xf32, #tpu.memory_space<vmem_shared>> -> memref<64xf32, #tpu.memory_space<vmem_shared>>
      tpu.wait_dma2 semaphore(%run_scoped3A : memref<!tpu.dma_semaphore, #tpu.memory_space<semaphore_mem>>) src(%dma_wait3A_326 : memref<64xf32, #tpu.memory_space<vmem_shared>>) dst(%dma_wait3A_325 : memref<64xf32, #tpu.memory_space<vmem>>)
      tpu.yield
    }) : () -> ()
    %mul3A_84 = arith.constant 64 : i32
    %mul3A_85 = arith.muli %arg1, %mul3A_84 : i32
    %add3A_86 = arith.constant 10240 : i32
    %add3A_87 = arith.addi %add3A_86, %mul3A_85 : i32
    "tpu.region"() ({
      %run_scoped3A = tpu.sem_alloc : memref<!tpu.dma_semaphore, #tpu.memory_space<semaphore_mem>>
      %dma_start3A = arith.constant 640 : i32
      %dma_start3A_317 = tpu.memref_slice %arg9[%dma_start3A] : memref<1024xf32, #tpu.memory_space<vmem>> -> memref<64xf32, #tpu.memory_space<vmem>>
      %dma_start3A_318 = tpu.memref_slice %arg8[%add3A_87] : memref<16384xf32, #tpu.memory_space<vmem_shared>> -> memref<64xf32, #tpu.memory_space<vmem_shared>>
      %dma_start3A_319 = arith.constant 640 : i32
      %dma_start3A_320 = tpu.memref_slice %arg9[%dma_start3A_319] : memref<1024xf32, #tpu.memory_space<vmem>> -> memref<64xf32, #tpu.memory_space<vmem>>
      %dma_start3A_321 = tpu.memref_slice %arg8[%add3A_87] : memref<16384xf32, #tpu.memory_space<vmem_shared>> -> memref<64xf32, #tpu.memory_space<vmem_shared>>
      tpu.enqueue_dma source(%dma_start3A_321 : memref<64xf32, #tpu.memory_space<vmem_shared>>) target(%dma_start3A_320 : memref<64xf32, #tpu.memory_space<vmem>>) target_semaphore(%run_scoped3A : memref<!tpu.dma_semaphore, #tpu.memory_space<semaphore_mem>>)
      %dma_wait3A = arith.constant 640 : i32
      %dma_wait3A_322 = tpu.memref_slice %arg9[%dma_wait3A] : memref<1024xf32, #tpu.memory_space<vmem>> -> memref<64xf32, #tpu.memory_space<vmem>>
      %dma_wait3A_323 = tpu.memref_slice %arg8[%add3A_87] : memref<16384xf32, #tpu.memory_space<vmem_shared>> -> memref<64xf32, #tpu.memory_space<vmem_shared>>
      %dma_wait3A_324 = arith.constant 640 : i32
      %dma_wait3A_325 = tpu.memref_slice %arg9[%dma_wait3A_324] : memref<1024xf32, #tpu.memory_space<vmem>> -> memref<64xf32, #tpu.memory_space<vmem>>
      %dma_wait3A_326 = tpu.memref_slice %arg8[%add3A_87] : memref<16384xf32, #tpu.memory_space<vmem_shared>> -> memref<64xf32, #tpu.memory_space<vmem_shared>>
      tpu.wait_dma2 semaphore(%run_scoped3A : memref<!tpu.dma_semaphore, #tpu.memory_space<semaphore_mem>>) src(%dma_wait3A_326 : memref<64xf32, #tpu.memory_space<vmem_shared>>) dst(%dma_wait3A_325 : memref<64xf32, #tpu.memory_space<vmem>>)
      tpu.yield
    }) : () -> ()
    %mul3A_88 = arith.constant 64 : i32
    %mul3A_89 = arith.muli %arg1, %mul3A_88 : i32
    %add3A_90 = arith.constant 11264 : i32
    %add3A_91 = arith.addi %add3A_90, %mul3A_89 : i32
    "tpu.region"() ({
      %run_scoped3A = tpu.sem_alloc : memref<!tpu.dma_semaphore, #tpu.memory_space<semaphore_mem>>
      %dma_start3A = arith.constant 704 : i32
      %dma_start3A_317 = tpu.memref_slice %arg9[%dma_start3A] : memref<1024xf32, #tpu.memory_space<vmem>> -> memref<64xf32, #tpu.memory_space<vmem>>
      %dma_start3A_318 = tpu.memref_slice %arg8[%add3A_91] : memref<16384xf32, #tpu.memory_space<vmem_shared>> -> memref<64xf32, #tpu.memory_space<vmem_shared>>
      %dma_start3A_319 = arith.constant 704 : i32
      %dma_start3A_320 = tpu.memref_slice %arg9[%dma_start3A_319] : memref<1024xf32, #tpu.memory_space<vmem>> -> memref<64xf32, #tpu.memory_space<vmem>>
      %dma_start3A_321 = tpu.memref_slice %arg8[%add3A_91] : memref<16384xf32, #tpu.memory_space<vmem_shared>> -> memref<64xf32, #tpu.memory_space<vmem_shared>>
      tpu.enqueue_dma source(%dma_start3A_321 : memref<64xf32, #tpu.memory_space<vmem_shared>>) target(%dma_start3A_320 : memref<64xf32, #tpu.memory_space<vmem>>) target_semaphore(%run_scoped3A : memref<!tpu.dma_semaphore, #tpu.memory_space<semaphore_mem>>)
      %dma_wait3A = arith.constant 704 : i32
      %dma_wait3A_322 = tpu.memref_slice %arg9[%dma_wait3A] : memref<1024xf32, #tpu.memory_space<vmem>> -> memref<64xf32, #tpu.memory_space<vmem>>
      %dma_wait3A_323 = tpu.memref_slice %arg8[%add3A_91] : memref<16384xf32, #tpu.memory_space<vmem_shared>> -> memref<64xf32, #tpu.memory_space<vmem_shared>>
      %dma_wait3A_324 = arith.constant 704 : i32
      %dma_wait3A_325 = tpu.memref_slice %arg9[%dma_wait3A_324] : memref<1024xf32, #tpu.memory_space<vmem>> -> memref<64xf32, #tpu.memory_space<vmem>>
      %dma_wait3A_326 = tpu.memref_slice %arg8[%add3A_91] : memref<16384xf32, #tpu.memory_space<vmem_shared>> -> memref<64xf32, #tpu.memory_space<vmem_shared>>
      tpu.wait_dma2 semaphore(%run_scoped3A : memref<!tpu.dma_semaphore, #tpu.memory_space<semaphore_mem>>) src(%dma_wait3A_326 : memref<64xf32, #tpu.memory_space<vmem_shared>>) dst(%dma_wait3A_325 : memref<64xf32, #tpu.memory_space<vmem>>)
      tpu.yield
    }) : () -> ()
    %mul3A_92 = arith.constant 64 : i32
    %mul3A_93 = arith.muli %arg1, %mul3A_92 : i32
    %add3A_94 = arith.constant 12288 : i32
    %add3A_95 = arith.addi %add3A_94, %mul3A_93 : i32
    "tpu.region"() ({
      %run_scoped3A = tpu.sem_alloc : memref<!tpu.dma_semaphore, #tpu.memory_space<semaphore_mem>>
      %dma_start3A = arith.constant 768 : i32
      %dma_start3A_317 = tpu.memref_slice %arg9[%dma_start3A] : memref<1024xf32, #tpu.memory_space<vmem>> -> memref<64xf32, #tpu.memory_space<vmem>>
      %dma_start3A_318 = tpu.memref_slice %arg8[%add3A_95] : memref<16384xf32, #tpu.memory_space<vmem_shared>> -> memref<64xf32, #tpu.memory_space<vmem_shared>>
      %dma_start3A_319 = arith.constant 768 : i32
      %dma_start3A_320 = tpu.memref_slice %arg9[%dma_start3A_319] : memref<1024xf32, #tpu.memory_space<vmem>> -> memref<64xf32, #tpu.memory_space<vmem>>
      %dma_start3A_321 = tpu.memref_slice %arg8[%add3A_95] : memref<16384xf32, #tpu.memory_space<vmem_shared>> -> memref<64xf32, #tpu.memory_space<vmem_shared>>
      tpu.enqueue_dma source(%dma_start3A_321 : memref<64xf32, #tpu.memory_space<vmem_shared>>) target(%dma_start3A_320 : memref<64xf32, #tpu.memory_space<vmem>>) target_semaphore(%run_scoped3A : memref<!tpu.dma_semaphore, #tpu.memory_space<semaphore_mem>>)
      %dma_wait3A = arith.constant 768 : i32
      %dma_wait3A_322 = tpu.memref_slice %arg9[%dma_wait3A] : memref<1024xf32, #tpu.memory_space<vmem>> -> memref<64xf32, #tpu.memory_space<vmem>>
      %dma_wait3A_323 = tpu.memref_slice %arg8[%add3A_95] : memref<16384xf32, #tpu.memory_space<vmem_shared>> -> memref<64xf32, #tpu.memory_space<vmem_shared>>
      %dma_wait3A_324 = arith.constant 768 : i32
      %dma_wait3A_325 = tpu.memref_slice %arg9[%dma_wait3A_324] : memref<1024xf32, #tpu.memory_space<vmem>> -> memref<64xf32, #tpu.memory_space<vmem>>
      %dma_wait3A_326 = tpu.memref_slice %arg8[%add3A_95] : memref<16384xf32, #tpu.memory_space<vmem_shared>> -> memref<64xf32, #tpu.memory_space<vmem_shared>>
      tpu.wait_dma2 semaphore(%run_scoped3A : memref<!tpu.dma_semaphore, #tpu.memory_space<semaphore_mem>>) src(%dma_wait3A_326 : memref<64xf32, #tpu.memory_space<vmem_shared>>) dst(%dma_wait3A_325 : memref<64xf32, #tpu.memory_space<vmem>>)
      tpu.yield
    }) : () -> ()
    %mul3A_96 = arith.constant 64 : i32
    %mul3A_97 = arith.muli %arg1, %mul3A_96 : i32
    %add3A_98 = arith.constant 13312 : i32
    %add3A_99 = arith.addi %add3A_98, %mul3A_97 : i32
    "tpu.region"() ({
      %run_scoped3A = tpu.sem_alloc : memref<!tpu.dma_semaphore, #tpu.memory_space<semaphore_mem>>
      %dma_start3A = arith.constant 832 : i32
      %dma_start3A_317 = tpu.memref_slice %arg9[%dma_start3A] : memref<1024xf32, #tpu.memory_space<vmem>> -> memref<64xf32, #tpu.memory_space<vmem>>
      %dma_start3A_318 = tpu.memref_slice %arg8[%add3A_99] : memref<16384xf32, #tpu.memory_space<vmem_shared>> -> memref<64xf32, #tpu.memory_space<vmem_shared>>
      %dma_start3A_319 = arith.constant 832 : i32
      %dma_start3A_320 = tpu.memref_slice %arg9[%dma_start3A_319] : memref<1024xf32, #tpu.memory_space<vmem>> -> memref<64xf32, #tpu.memory_space<vmem>>
      %dma_start3A_321 = tpu.memref_slice %arg8[%add3A_99] : memref<16384xf32, #tpu.memory_space<vmem_shared>> -> memref<64xf32, #tpu.memory_space<vmem_shared>>
      tpu.enqueue_dma source(%dma_start3A_321 : memref<64xf32, #tpu.memory_space<vmem_shared>>) target(%dma_start3A_320 : memref<64xf32, #tpu.memory_space<vmem>>) target_semaphore(%run_scoped3A : memref<!tpu.dma_semaphore, #tpu.memory_space<semaphore_mem>>)
      %dma_wait3A = arith.constant 832 : i32
      %dma_wait3A_322 = tpu.memref_slice %arg9[%dma_wait3A] : memref<1024xf32, #tpu.memory_space<vmem>> -> memref<64xf32, #tpu.memory_space<vmem>>
      %dma_wait3A_323 = tpu.memref_slice %arg8[%add3A_99] : memref<16384xf32, #tpu.memory_space<vmem_shared>> -> memref<64xf32, #tpu.memory_space<vmem_shared>>
      %dma_wait3A_324 = arith.constant 832 : i32
      %dma_wait3A_325 = tpu.memref_slice %arg9[%dma_wait3A_324] : memref<1024xf32, #tpu.memory_space<vmem>> -> memref<64xf32, #tpu.memory_space<vmem>>
      %dma_wait3A_326 = tpu.memref_slice %arg8[%add3A_99] : memref<16384xf32, #tpu.memory_space<vmem_shared>> -> memref<64xf32, #tpu.memory_space<vmem_shared>>
      tpu.wait_dma2 semaphore(%run_scoped3A : memref<!tpu.dma_semaphore, #tpu.memory_space<semaphore_mem>>) src(%dma_wait3A_326 : memref<64xf32, #tpu.memory_space<vmem_shared>>) dst(%dma_wait3A_325 : memref<64xf32, #tpu.memory_space<vmem>>)
      tpu.yield
    }) : () -> ()
    %mul3A_100 = arith.constant 64 : i32
    %mul3A_101 = arith.muli %arg1, %mul3A_100 : i32
    %add3A_102 = arith.constant 14336 : i32
    %add3A_103 = arith.addi %add3A_102, %mul3A_101 : i32
    "tpu.region"() ({
      %run_scoped3A = tpu.sem_alloc : memref<!tpu.dma_semaphore, #tpu.memory_space<semaphore_mem>>
      %dma_start3A = arith.constant 896 : i32
      %dma_start3A_317 = tpu.memref_slice %arg9[%dma_start3A] : memref<1024xf32, #tpu.memory_space<vmem>> -> memref<64xf32, #tpu.memory_space<vmem>>
      %dma_start3A_318 = tpu.memref_slice %arg8[%add3A_103] : memref<16384xf32, #tpu.memory_space<vmem_shared>> -> memref<64xf32, #tpu.memory_space<vmem_shared>>
      %dma_start3A_319 = arith.constant 896 : i32
      %dma_start3A_320 = tpu.memref_slice %arg9[%dma_start3A_319] : memref<1024xf32, #tpu.memory_space<vmem>> -> memref<64xf32, #tpu.memory_space<vmem>>
      %dma_start3A_321 = tpu.memref_slice %arg8[%add3A_103] : memref<16384xf32, #tpu.memory_space<vmem_shared>> -> memref<64xf32, #tpu.memory_space<vmem_shared>>
      tpu.enqueue_dma source(%dma_start3A_321 : memref<64xf32, #tpu.memory_space<vmem_shared>>) target(%dma_start3A_320 : memref<64xf32, #tpu.memory_space<vmem>>) target_semaphore(%run_scoped3A : memref<!tpu.dma_semaphore, #tpu.memory_space<semaphore_mem>>)
      %dma_wait3A = arith.constant 896 : i32
      %dma_wait3A_322 = tpu.memref_slice %arg9[%dma_wait3A] : memref<1024xf32, #tpu.memory_space<vmem>> -> memref<64xf32, #tpu.memory_space<vmem>>
      %dma_wait3A_323 = tpu.memref_slice %arg8[%add3A_103] : memref<16384xf32, #tpu.memory_space<vmem_shared>> -> memref<64xf32, #tpu.memory_space<vmem_shared>>
      %dma_wait3A_324 = arith.constant 896 : i32
      %dma_wait3A_325 = tpu.memref_slice %arg9[%dma_wait3A_324] : memref<1024xf32, #tpu.memory_space<vmem>> -> memref<64xf32, #tpu.memory_space<vmem>>
      %dma_wait3A_326 = tpu.memref_slice %arg8[%add3A_103] : memref<16384xf32, #tpu.memory_space<vmem_shared>> -> memref<64xf32, #tpu.memory_space<vmem_shared>>
      tpu.wait_dma2 semaphore(%run_scoped3A : memref<!tpu.dma_semaphore, #tpu.memory_space<semaphore_mem>>) src(%dma_wait3A_326 : memref<64xf32, #tpu.memory_space<vmem_shared>>) dst(%dma_wait3A_325 : memref<64xf32, #tpu.memory_space<vmem>>)
      tpu.yield
    }) : () -> ()
    %mul3A_104 = arith.constant 64 : i32
    %mul3A_105 = arith.muli %arg1, %mul3A_104 : i32
    %add3A_106 = arith.constant 15360 : i32
    %add3A_107 = arith.addi %add3A_106, %mul3A_105 : i32
    "tpu.region"() ({
      %run_scoped3A = tpu.sem_alloc : memref<!tpu.dma_semaphore, #tpu.memory_space<semaphore_mem>>
      %dma_start3A = arith.constant 960 : i32
      %dma_start3A_317 = tpu.memref_slice %arg9[%dma_start3A] : memref<1024xf32, #tpu.memory_space<vmem>> -> memref<64xf32, #tpu.memory_space<vmem>>
      %dma_start3A_318 = tpu.memref_slice %arg8[%add3A_107] : memref<16384xf32, #tpu.memory_space<vmem_shared>> -> memref<64xf32, #tpu.memory_space<vmem_shared>>
      %dma_start3A_319 = arith.constant 960 : i32
      %dma_start3A_320 = tpu.memref_slice %arg9[%dma_start3A_319] : memref<1024xf32, #tpu.memory_space<vmem>> -> memref<64xf32, #tpu.memory_space<vmem>>
      %dma_start3A_321 = tpu.memref_slice %arg8[%add3A_107] : memref<16384xf32, #tpu.memory_space<vmem_shared>> -> memref<64xf32, #tpu.memory_space<vmem_shared>>
      tpu.enqueue_dma source(%dma_start3A_321 : memref<64xf32, #tpu.memory_space<vmem_shared>>) target(%dma_start3A_320 : memref<64xf32, #tpu.memory_space<vmem>>) target_semaphore(%run_scoped3A : memref<!tpu.dma_semaphore, #tpu.memory_space<semaphore_mem>>)
      %dma_wait3A = arith.constant 960 : i32
      %dma_wait3A_322 = tpu.memref_slice %arg9[%dma_wait3A] : memref<1024xf32, #tpu.memory_space<vmem>> -> memref<64xf32, #tpu.memory_space<vmem>>
      %dma_wait3A_323 = tpu.memref_slice %arg8[%add3A_107] : memref<16384xf32, #tpu.memory_space<vmem_shared>> -> memref<64xf32, #tpu.memory_space<vmem_shared>>
      %dma_wait3A_324 = arith.constant 960 : i32
      %dma_wait3A_325 = tpu.memref_slice %arg9[%dma_wait3A_324] : memref<1024xf32, #tpu.memory_space<vmem>> -> memref<64xf32, #tpu.memory_space<vmem>>
      %dma_wait3A_326 = tpu.memref_slice %arg8[%add3A_107] : memref<16384xf32, #tpu.memory_space<vmem_shared>> -> memref<64xf32, #tpu.memory_space<vmem_shared>>
      tpu.wait_dma2 semaphore(%run_scoped3A : memref<!tpu.dma_semaphore, #tpu.memory_space<semaphore_mem>>) src(%dma_wait3A_326 : memref<64xf32, #tpu.memory_space<vmem_shared>>) dst(%dma_wait3A_325 : memref<64xf32, #tpu.memory_space<vmem>>)
      tpu.yield
    }) : () -> ()
    %broadcast_in_dim3A_108 = arith.constant 0.000000e+00 : f32
    %broadcast_in_dim3A_109 = vector.broadcast %broadcast_in_dim3A_108 : f32 to vector<16xf32>
    %get3A_110 = arith.constant 0 : index
    %get3A_111 = tpu.vector_load %arg9[%get3A_110] {strides = array<i32>} : memref<1024xf32, #tpu.memory_space<vmem>>, vector<16xf32>,
    %add3A_112 = arith.addf %broadcast_in_dim3A_109, %get3A_111 : vector<16xf32>
    %get3A_113 = arith.constant 64 : index
    %get3A_114 = tpu.vector_load %arg9[%get3A_113] {strides = array<i32>} : memref<1024xf32, #tpu.memory_space<vmem>>, vector<16xf32>,
    %add3A_115 = arith.addf %add3A_112, %get3A_114 : vector<16xf32>
    %get3A_116 = arith.constant 128 : index
    %get3A_117 = tpu.vector_load %arg9[%get3A_116] {strides = array<i32>} : memref<1024xf32, #tpu.memory_space<vmem>>, vector<16xf32>,
    %add3A_118 = arith.addf %add3A_115, %get3A_117 : vector<16xf32>
    %get3A_119 = arith.constant 192 : index
    %get3A_120 = tpu.vector_load %arg9[%get3A_119] {strides = array<i32>} : memref<1024xf32, #tpu.memory_space<vmem>>, vector<16xf32>,
    %add3A_121 = arith.addf %add3A_118, %get3A_120 : vector<16xf32>
    %get3A_122 = arith.constant 256 : index
    %get3A_123 = tpu.vector_load %arg9[%get3A_122] {strides = array<i32>} : memref<1024xf32, #tpu.memory_space<vmem>>, vector<16xf32>,
    %add3A_124 = arith.addf %add3A_121, %get3A_123 : vector<16xf32>
    %get3A_125 = arith.constant 320 : index
    %get3A_126 = tpu.vector_load %arg9[%get3A_125] {strides = array<i32>} : memref<1024xf32, #tpu.memory_space<vmem>>, vector<16xf32>,
    %add3A_127 = arith.addf %add3A_124, %get3A_126 : vector<16xf32>
    %get3A_128 = arith.constant 384 : index
    %get3A_129 = tpu.vector_load %arg9[%get3A_128] {strides = array<i32>} : memref<1024xf32, #tpu.memory_space<vmem>>, vector<16xf32>,
    %add3A_130 = arith.addf %add3A_127, %get3A_129 : vector<16xf32>
    %get3A_131 = arith.constant 448 : index
    %get3A_132 = tpu.vector_load %arg9[%get3A_131] {strides = array<i32>} : memref<1024xf32, #tpu.memory_space<vmem>>, vector<16xf32>,
    %add3A_133 = arith.addf %add3A_130, %get3A_132 : vector<16xf32>
    %get3A_134 = arith.constant 512 : index
    %get3A_135 = tpu.vector_load %arg9[%get3A_134] {strides = array<i32>} : memref<1024xf32, #tpu.memory_space<vmem>>, vector<16xf32>,
    %add3A_136 = arith.addf %add3A_133, %get3A_135 : vector<16xf32>
    %get3A_137 = arith.constant 576 : index
    %get3A_138 = tpu.vector_load %arg9[%get3A_137] {strides = array<i32>} : memref<1024xf32, #tpu.memory_space<vmem>>, vector<16xf32>,
    %add3A_139 = arith.addf %add3A_136, %get3A_138 : vector<16xf32>
    %get3A_140 = arith.constant 640 : index
    %get3A_141 = tpu.vector_load %arg9[%get3A_140] {strides = array<i32>} : memref<1024xf32, #tpu.memory_space<vmem>>, vector<16xf32>,
    %add3A_142 = arith.addf %add3A_139, %get3A_141 : vector<16xf32>
    %get3A_143 = arith.constant 704 : index
    %get3A_144 = tpu.vector_load %arg9[%get3A_143] {strides = array<i32>} : memref<1024xf32, #tpu.memory_space<vmem>>, vector<16xf32>,
    %add3A_145 = arith.addf %add3A_142, %get3A_144 : vector<16xf32>
    %get3A_146 = arith.constant 768 : index
    %get3A_147 = tpu.vector_load %arg9[%get3A_146] {strides = array<i32>} : memref<1024xf32, #tpu.memory_space<vmem>>, vector<16xf32>,
    %add3A_148 = arith.addf %add3A_145, %get3A_147 : vector<16xf32>
    %get3A_149 = arith.constant 832 : index
    %get3A_150 = tpu.vector_load %arg9[%get3A_149] {strides = array<i32>} : memref<1024xf32, #tpu.memory_space<vmem>>, vector<16xf32>,
    %add3A_151 = arith.addf %add3A_148, %get3A_150 : vector<16xf32>
    %get3A_152 = arith.constant 896 : index
    %get3A_153 = tpu.vector_load %arg9[%get3A_152] {strides = array<i32>} : memref<1024xf32, #tpu.memory_space<vmem>>, vector<16xf32>,
    %add3A_154 = arith.addf %add3A_151, %get3A_153 : vector<16xf32>
    %get3A_155 = arith.constant 960 : index
    %get3A_156 = tpu.vector_load %arg9[%get3A_155] {strides = array<i32>} : memref<1024xf32, #tpu.memory_space<vmem>>, vector<16xf32>,
    %add3A_157 = arith.addf %add3A_154, %get3A_156 : vector<16xf32>
    %swap3A = arith.constant 0 : index
    %swap3A_158 = tpu.vector_load %arg10[%swap3A] {strides = array<i32>} : memref<64xf32, #tpu.memory_space<vmem>>, vector<16xf32>,
    tpu.vector_store %arg10[%swap3A], %add3A_157 {strides = array<i32>} : memref<64xf32, #tpu.memory_space<vmem>>, vector<16xf32>,
    %broadcast_in_dim3A_159 = arith.constant 0.000000e+00 : f32
    %broadcast_in_dim3A_160 = vector.broadcast %broadcast_in_dim3A_159 : f32 to vector<16xf32>
    %get3A_161 = arith.constant 16 : index
    %get3A_162 = tpu.vector_load %arg9[%get3A_161] {strides = array<i32>} : memref<1024xf32, #tpu.memory_space<vmem>>, vector<16xf32>,
    %add3A_163 = arith.addf %broadcast_in_dim3A_160, %get3A_162 : vector<16xf32>
    %get3A_164 = arith.constant 80 : index
    %get3A_165 = tpu.vector_load %arg9[%get3A_164] {strides = array<i32>} : memref<1024xf32, #tpu.memory_space<vmem>>, vector<16xf32>,
    %add3A_166 = arith.addf %add3A_163, %get3A_165 : vector<16xf32>
    %get3A_167 = arith.constant 144 : index
    %get3A_168 = tpu.vector_load %arg9[%get3A_167] {strides = array<i32>} : memref<1024xf32, #tpu.memory_space<vmem>>, vector<16xf32>,
    %add3A_169 = arith.addf %add3A_166, %get3A_168 : vector<16xf32>
    %get3A_170 = arith.constant 208 : index
    %get3A_171 = tpu.vector_load %arg9[%get3A_170] {strides = array<i32>} : memref<1024xf32, #tpu.memory_space<vmem>>, vector<16xf32>,
    %add3A_172 = arith.addf %add3A_169, %get3A_171 : vector<16xf32>
    %get3A_173 = arith.constant 272 : index
    %get3A_174 = tpu.vector_load %arg9[%get3A_173] {strides = array<i32>} : memref<1024xf32, #tpu.memory_space<vmem>>, vector<16xf32>,
    %add3A_175 = arith.addf %add3A_172, %get3A_174 : vector<16xf32>
    %get3A_176 = arith.constant 336 : index
    %get3A_177 = tpu.vector_load %arg9[%get3A_176] {strides = array<i32>} : memref<1024xf32, #tpu.memory_space<vmem>>, vector<16xf32>,
    %add3A_178 = arith.addf %add3A_175, %get3A_177 : vector<16xf32>
    %get3A_179 = arith.constant 400 : index
    %get3A_180 = tpu.vector_load %arg9[%get3A_179] {strides = array<i32>} : memref<1024xf32, #tpu.memory_space<vmem>>, vector<16xf32>,
    %add3A_181 = arith.addf %add3A_178, %get3A_180 : vector<16xf32>
    %get3A_182 = arith.constant 464 : index
    %get3A_183 = tpu.vector_load %arg9[%get3A_182] {strides = array<i32>} : memref<1024xf32, #tpu.memory_space<vmem>>, vector<16xf32>,
    %add3A_184 = arith.addf %add3A_181, %get3A_183 : vector<16xf32>
    %get3A_185 = arith.constant 528 : index
    %get3A_186 = tpu.vector_load %arg9[%get3A_185] {strides = array<i32>} : memref<1024xf32, #tpu.memory_space<vmem>>, vector<16xf32>,
    %add3A_187 = arith.addf %add3A_184, %get3A_186 : vector<16xf32>
    %get3A_188 = arith.constant 592 : index
    %get3A_189 = tpu.vector_load %arg9[%get3A_188] {strides = array<i32>} : memref<1024xf32, #tpu.memory_space<vmem>>, vector<16xf32>,
    %add3A_190 = arith.addf %add3A_187, %get3A_189 : vector<16xf32>
    %get3A_191 = arith.constant 656 : index
    %get3A_192 = tpu.vector_load %arg9[%get3A_191] {strides = array<i32>} : memref<1024xf32, #tpu.memory_space<vmem>>, vector<16xf32>,
    %add3A_193 = arith.addf %add3A_190, %get3A_192 : vector<16xf32>
    %get3A_194 = arith.constant 720 : index
    %get3A_195 = tpu.vector_load %arg9[%get3A_194] {strides = array<i32>} : memref<1024xf32, #tpu.memory_space<vmem>>, vector<16xf32>,
    %add3A_196 = arith.addf %add3A_193, %get3A_195 : vector<16xf32>
    %get3A_197 = arith.constant 784 : index
    %get3A_198 = tpu.vector_load %arg9[%get3A_197] {strides = array<i32>} : memref<1024xf32, #tpu.memory_space<vmem>>, vector<16xf32>,
    %add3A_199 = arith.addf %add3A_196, %get3A_198 : vector<16xf32>
    %get3A_200 = arith.constant 848 : index
    %get3A_201 = tpu.vector_load %arg9[%get3A_200] {strides = array<i32>} : memref<1024xf32, #tpu.memory_space<vmem>>, vector<16xf32>,
    %add3A_202 = arith.addf %add3A_199, %get3A_201 : vector<16xf32>
    %get3A_203 = arith.constant 912 : index
    %get3A_204 = tpu.vector_load %arg9[%get3A_203] {strides = array<i32>} : memref<1024xf32, #tpu.memory_space<vmem>>, vector<16xf32>,
    %add3A_205 = arith.addf %add3A_202, %get3A_204 : vector<16xf32>
    %get3A_206 = arith.constant 976 : index
    %get3A_207 = tpu.vector_load %arg9[%get3A_206] {strides = array<i32>} : memref<1024xf32, #tpu.memory_space<vmem>>, vector<16xf32>,
    %add3A_208 = arith.addf %add3A_205, %get3A_207 : vector<16xf32>
    %swap3A_209 = arith.constant 16 : index
    %swap3A_210 = tpu.vector_load %arg10[%swap3A_209] {strides = array<i32>} : memref<64xf32, #tpu.memory_space<vmem>>, vector<16xf32>,
    tpu.vector_store %arg10[%swap3A_209], %add3A_208 {strides = array<i32>} : memref<64xf32, #tpu.memory_space<vmem>>, vector<16xf32>,
    %broadcast_in_dim3A_211 = arith.constant 0.000000e+00 : f32
    %broadcast_in_dim3A_212 = vector.broadcast %broadcast_in_dim3A_211 : f32 to vector<16xf32>
    %get3A_213 = arith.constant 32 : index
    %get3A_214 = tpu.vector_load %arg9[%get3A_213] {strides = array<i32>} : memref<1024xf32, #tpu.memory_space<vmem>>, vector<16xf32>,
    %add3A_215 = arith.addf %broadcast_in_dim3A_212, %get3A_214 : vector<16xf32>
    %get3A_216 = arith.constant 96 : index
    %get3A_217 = tpu.vector_load %arg9[%get3A_216] {strides = array<i32>} : memref<1024xf32, #tpu.memory_space<vmem>>, vector<16xf32>,
    %add3A_218 = arith.addf %add3A_215, %get3A_217 : vector<16xf32>
    %get3A_219 = arith.constant 160 : index
    %get3A_220 = tpu.vector_load %arg9[%get3A_219] {strides = array<i32>} : memref<1024xf32, #tpu.memory_space<vmem>>, vector<16xf32>,
    %add3A_221 = arith.addf %add3A_218, %get3A_220 : vector<16xf32>
    %get3A_222 = arith.constant 224 : index
    %get3A_223 = tpu.vector_load %arg9[%get3A_222] {strides = array<i32>} : memref<1024xf32, #tpu.memory_space<vmem>>, vector<16xf32>,
    %add3A_224 = arith.addf %add3A_221, %get3A_223 : vector<16xf32>
    %get3A_225 = arith.constant 288 : index
    %get3A_226 = tpu.vector_load %arg9[%get3A_225] {strides = array<i32>} : memref<1024xf32, #tpu.memory_space<vmem>>, vector<16xf32>,
    %add3A_227 = arith.addf %add3A_224, %get3A_226 : vector<16xf32>
    %get3A_228 = arith.constant 352 : index
    %get3A_229 = tpu.vector_load %arg9[%get3A_228] {strides = array<i32>} : memref<1024xf32, #tpu.memory_space<vmem>>, vector<16xf32>,
    %add3A_230 = arith.addf %add3A_227, %get3A_229 : vector<16xf32>
    %get3A_231 = arith.constant 416 : index
    %get3A_232 = tpu.vector_load %arg9[%get3A_231] {strides = array<i32>} : memref<1024xf32, #tpu.memory_space<vmem>>, vector<16xf32>,
    %add3A_233 = arith.addf %add3A_230, %get3A_232 : vector<16xf32>
    %get3A_234 = arith.constant 480 : index
    %get3A_235 = tpu.vector_load %arg9[%get3A_234] {strides = array<i32>} : memref<1024xf32, #tpu.memory_space<vmem>>, vector<16xf32>,
    %add3A_236 = arith.addf %add3A_233, %get3A_235 : vector<16xf32>
    %get3A_237 = arith.constant 544 : index
    %get3A_238 = tpu.vector_load %arg9[%get3A_237] {strides = array<i32>} : memref<1024xf32, #tpu.memory_space<vmem>>, vector<16xf32>,
    %add3A_239 = arith.addf %add3A_236, %get3A_238 : vector<16xf32>
    %get3A_240 = arith.constant 608 : index
    %get3A_241 = tpu.vector_load %arg9[%get3A_240] {strides = array<i32>} : memref<1024xf32, #tpu.memory_space<vmem>>, vector<16xf32>,
    %add3A_242 = arith.addf %add3A_239, %get3A_241 : vector<16xf32>
    %get3A_243 = arith.constant 672 : index
    %get3A_244 = tpu.vector_load %arg9[%get3A_243] {strides = array<i32>} : memref<1024xf32, #tpu.memory_space<vmem>>, vector<16xf32>,
    %add3A_245 = arith.addf %add3A_242, %get3A_244 : vector<16xf32>
    %get3A_246 = arith.constant 736 : index
    %get3A_247 = tpu.vector_load %arg9[%get3A_246] {strides = array<i32>} : memref<1024xf32, #tpu.memory_space<vmem>>, vector<16xf32>,
    %add3A_248 = arith.addf %add3A_245, %get3A_247 : vector<16xf32>
    %get3A_249 = arith.constant 800 : index
    %get3A_250 = tpu.vector_load %arg9[%get3A_249] {strides = array<i32>} : memref<1024xf32, #tpu.memory_space<vmem>>, vector<16xf32>,
    %add3A_251 = arith.addf %add3A_248, %get3A_250 : vector<16xf32>
    %get3A_252 = arith.constant 864 : index
    %get3A_253 = tpu.vector_load %arg9[%get3A_252] {strides = array<i32>} : memref<1024xf32, #tpu.memory_space<vmem>>, vector<16xf32>,
    %add3A_254 = arith.addf %add3A_251, %get3A_253 : vector<16xf32>
    %get3A_255 = arith.constant 928 : index
    %get3A_256 = tpu.vector_load %arg9[%get3A_255] {strides = array<i32>} : memref<1024xf32, #tpu.memory_space<vmem>>, vector<16xf32>,
    %add3A_257 = arith.addf %add3A_254, %get3A_256 : vector<16xf32>
    %get3A_258 = arith.constant 992 : index
    %get3A_259 = tpu.vector_load %arg9[%get3A_258] {strides = array<i32>} : memref<1024xf32, #tpu.memory_space<vmem>>, vector<16xf32>,
    %add3A_260 = arith.addf %add3A_257, %get3A_259 : vector<16xf32>
    %swap3A_261 = arith.constant 32 : index
    %swap3A_262 = tpu.vector_load %arg10[%swap3A_261] {strides = array<i32>} : memref<64xf32, #tpu.memory_space<vmem>>, vector<16xf32>,
    tpu.vector_store %arg10[%swap3A_261], %add3A_260 {strides = array<i32>} : memref<64xf32, #tpu.memory_space<vmem>>, vector<16xf32>,
    %broadcast_in_dim3A_263 = arith.constant 0.000000e+00 : f32
    %broadcast_in_dim3A_264 = vector.broadcast %broadcast_in_dim3A_263 : f32 to vector<16xf32>
    %get3A_265 = arith.constant 48 : index
    %get3A_266 = tpu.vector_load %arg9[%get3A_265] {strides = array<i32>} : memref<1024xf32, #tpu.memory_space<vmem>>, vector<16xf32>,
    %add3A_267 = arith.addf %broadcast_in_dim3A_264, %get3A_266 : vector<16xf32>
    %get3A_268 = arith.constant 112 : index
    %get3A_269 = tpu.vector_load %arg9[%get3A_268] {strides = array<i32>} : memref<1024xf32, #tpu.memory_space<vmem>>, vector<16xf32>,
    %add3A_270 = arith.addf %add3A_267, %get3A_269 : vector<16xf32>
    %get3A_271 = arith.constant 176 : index
    %get3A_272 = tpu.vector_load %arg9[%get3A_271] {strides = array<i32>} : memref<1024xf32, #tpu.memory_space<vmem>>, vector<16xf32>,
    %add3A_273 = arith.addf %add3A_270, %get3A_272 : vector<16xf32>
    %get3A_274 = arith.constant 240 : index
    %get3A_275 = tpu.vector_load %arg9[%get3A_274] {strides = array<i32>} : memref<1024xf32, #tpu.memory_space<vmem>>, vector<16xf32>,
    %add3A_276 = arith.addf %add3A_273, %get3A_275 : vector<16xf32>
    %get3A_277 = arith.constant 304 : index
    %get3A_278 = tpu.vector_load %arg9[%get3A_277] {strides = array<i32>} : memref<1024xf32, #tpu.memory_space<vmem>>, vector<16xf32>,
    %add3A_279 = arith.addf %add3A_276, %get3A_278 : vector<16xf32>
    %get3A_280 = arith.constant 368 : index
    %get3A_281 = tpu.vector_load %arg9[%get3A_280] {strides = array<i32>} : memref<1024xf32, #tpu.memory_space<vmem>>, vector<16xf32>,
    %add3A_282 = arith.addf %add3A_279, %get3A_281 : vector<16xf32>
    %get3A_283 = arith.constant 432 : index
    %get3A_284 = tpu.vector_load %arg9[%get3A_283] {strides = array<i32>} : memref<1024xf32, #tpu.memory_space<vmem>>, vector<16xf32>,
    %add3A_285 = arith.addf %add3A_282, %get3A_284 : vector<16xf32>
    %get3A_286 = arith.constant 496 : index
    %get3A_287 = tpu.vector_load %arg9[%get3A_286] {strides = array<i32>} : memref<1024xf32, #tpu.memory_space<vmem>>, vector<16xf32>,
    %add3A_288 = arith.addf %add3A_285, %get3A_287 : vector<16xf32>
    %get3A_289 = arith.constant 560 : index
    %get3A_290 = tpu.vector_load %arg9[%get3A_289] {strides = array<i32>} : memref<1024xf32, #tpu.memory_space<vmem>>, vector<16xf32>,
    %add3A_291 = arith.addf %add3A_288, %get3A_290 : vector<16xf32>
    %get3A_292 = arith.constant 624 : index
    %get3A_293 = tpu.vector_load %arg9[%get3A_292] {strides = array<i32>} : memref<1024xf32, #tpu.memory_space<vmem>>, vector<16xf32>,
    %add3A_294 = arith.addf %add3A_291, %get3A_293 : vector<16xf32>
    %get3A_295 = arith.constant 688 : index
    %get3A_296 = tpu.vector_load %arg9[%get3A_295] {strides = array<i32>} : memref<1024xf32, #tpu.memory_space<vmem>>, vector<16xf32>,
    %add3A_297 = arith.addf %add3A_294, %get3A_296 : vector<16xf32>
    %get3A_298 = arith.constant 752 : index
    %get3A_299 = tpu.vector_load %arg9[%get3A_298] {strides = array<i32>} : memref<1024xf32, #tpu.memory_space<vmem>>, vector<16xf32>,
    %add3A_300 = arith.addf %add3A_297, %get3A_299 : vector<16xf32>
    %get3A_301 = arith.constant 816 : index
    %get3A_302 = tpu.vector_load %arg9[%get3A_301] {strides = array<i32>} : memref<1024xf32, #tpu.memory_space<vmem>>, vector<16xf32>,
    %add3A_303 = arith.addf %add3A_300, %get3A_302 : vector<16xf32>
    %get3A_304 = arith.constant 880 : index
    %get3A_305 = tpu.vector_load %arg9[%get3A_304] {strides = array<i32>} : memref<1024xf32, #tpu.memory_space<vmem>>, vector<16xf32>,
    %add3A_306 = arith.addf %add3A_303, %get3A_305 : vector<16xf32>
    %get3A_307 = arith.constant 944 : index
    %get3A_308 = tpu.vector_load %arg9[%get3A_307] {strides = array<i32>} : memref<1024xf32, #tpu.memory_space<vmem>>, vector<16xf32>,
    %add3A_309 = arith.addf %add3A_306, %get3A_308 : vector<16xf32>
    %get3A_310 = arith.constant 1008 : index
    %get3A_311 = tpu.vector_load %arg9[%get3A_310] {strides = array<i32>} : memref<1024xf32, #tpu.memory_space<vmem>>, vector<16xf32>,
    %add3A_312 = arith.addf %add3A_309, %get3A_311 : vector<16xf32>
    %swap3A_313 = arith.constant 48 : index
    %swap3A_314 = tpu.vector_load %arg10[%swap3A_313] {strides = array<i32>} : memref<64xf32, #tpu.memory_space<vmem>>, vector<16xf32>,
    tpu.vector_store %arg10[%swap3A_313], %add3A_312 {strides = array<i32>} : memref<64xf32, #tpu.memory_space<vmem>>, vector<16xf32>,
    %mul3A_315 = arith.constant 64 : i32
    %mul3A_316 = arith.muli %arg1, %mul3A_315 : i32
    "tpu.region"() ({
      %run_scoped3A = tpu.sem_alloc : memref<!tpu.dma_semaphore, #tpu.memory_space<semaphore_mem>>
      %dma_start3A = tpu.memref_slice %arg4[%mul3A_316] : memref<1024xf32, #tpu.memory_space<hbm>> -> memref<64xf32, #tpu.memory_space<hbm>>
      %dma_start3A_317 = tpu.memref_slice %arg4[%mul3A_316] : memref<1024xf32, #tpu.memory_space<hbm>> -> memref<64xf32, #tpu.memory_space<hbm>>
      tpu.enqueue_dma source(%arg10 : memref<64xf32, #tpu.memory_space<vmem>>) target(%dma_start3A_317 : memref<64xf32, #tpu.memory_space<hbm>>) target_semaphore(%run_scoped3A : memref<!tpu.dma_semaphore, #tpu.memory_space<semaphore_mem>>)
      %dma_wait3A = tpu.memref_slice %arg4[%mul3A_316] : memref<1024xf32, #tpu.memory_space<hbm>> -> memref<64xf32, #tpu.memory_space<hbm>>
      %dma_wait3A_318 = tpu.memref_slice %arg4[%mul3A_316] : memref<1024xf32, #tpu.memory_space<hbm>> -> memref<64xf32, #tpu.memory_space<hbm>>
      tpu.wait_dma2 semaphore(%run_scoped3A : memref<!tpu.dma_semaphore, #tpu.memory_space<semaphore_mem>>) src(%arg10 : memref<64xf32, #tpu.memory_space<vmem>>) dst(%dma_wait3A_318 : memref<64xf32, #tpu.memory_space<hbm>>)
      tpu.yield
    }) : () -> ()
    return
  }
}

module attributes {stable_mosaic.version = 14 : i64} {
  func.func @_mlp_body(%arg0: i32, %arg1: memref<2000x128xf32, #tpu.memory_space<vmem>>, %arg2: memref<128x128xf32, #tpu.memory_space<vmem>>, %arg3: memref<1x128xf32, #tpu.memory_space<vmem>>, %arg4: memref<128x1xf32, #tpu.memory_space<vmem>>, %arg5: memref<1x1xf32, #tpu.memory_space<vmem>>, %arg6: memref<1x125x16xf32, #tpu.memory_space<vmem>>) attributes {dimension_semantics = [#tpu.dimension_semantics<arbitrary>], iteration_bounds = array<i64: 50>, scalar_prefetch = 0 : i64, scratch_operands = 0 : i64, tpu.core_type = #tpu.core_type<tc>, window_params = [{transform_indices = @transform_0, window_bounds = array<i64: 2000, 128>}, {pipeline_mode = #tpu.pipeline_mode<synchronous>, transform_indices = @transform_1, window_bounds = array<i64: 128, 128>}, {pipeline_mode = #tpu.pipeline_mode<synchronous>, transform_indices = @transform_2, window_bounds = array<i64: 1, 128>}, {pipeline_mode = #tpu.pipeline_mode<synchronous>, transform_indices = @transform_3, window_bounds = array<i64: 128, 1>}, {pipeline_mode = #tpu.pipeline_mode<synchronous>, transform_indices = @transform_4, window_bounds = array<i64: 1, 1>}, {transform_indices = @transform_5, window_bounds = array<i64: 1, 125, 16>}]} {
    %get3A = arith.constant 0 : index
    %get3A_0 = arith.constant 0 : index
    %get3A_1 = vector.load %arg1[%get3A, %get3A_0] : memref<2000x128xf32, #tpu.memory_space<vmem>>, vector<2000x128xf32>
    %get3A_2 = arith.constant 0 : index
    %get3A_3 = arith.constant 0 : index
    %get3A_4 = vector.load %arg2[%get3A_2, %get3A_3] : memref<128x128xf32, #tpu.memory_space<vmem>>, vector<128x128xf32>
    %dot_general3A = arith.constant dense<0.000000e+00> : vector<2000x128xf32>
    %dot_general3A_5 = tpu.matmul %get3A_1, %get3A_4, %dot_general3A {dimension_numbers = #tpu.dot_dimension_numbers<[1], [0], [0], [1], [0, 0, 1, 1], [], []>, transpose_lhs_hint = false} : vector<2000x128xf32>, vector<128x128xf32>, vector<2000x128xf32> -> vector<2000x128xf32>
    %get3A_6 = arith.constant 0 : index
    %get3A_7 = arith.constant 0 : index
    %get3A_8 = vector.load %arg3[%get3A_6, %get3A_7] : memref<1x128xf32, #tpu.memory_space<vmem>>, vector<1x128xf32>
    %add3A = vector.broadcast %get3A_8 : vector<1x128xf32> to vector<2000x128xf32>
    %add3A_9 = arith.addf %dot_general3A_5, %add3A : vector<2000x128xf32>
    %logistic3A = arith.negf %add3A_9 : vector<2000x128xf32>
    %logistic3A_10 = math.exp %logistic3A : vector<2000x128xf32>
    %logistic3A_11 = arith.constant 1.000000e+00 : f32
    %logistic3A_12 = vector.broadcast %logistic3A_11 : f32 to vector<2000x128xf32>
    %logistic3A_13 = arith.addf %logistic3A_12, %logistic3A_10 : vector<2000x128xf32>
    %logistic3A_14 = arith.divf %logistic3A_12, %logistic3A_13 : vector<2000x128xf32>
    %mul3A = arith.mulf %add3A_9, %logistic3A_14 : vector<2000x128xf32>
    %get3A_15 = arith.constant 0 : index
    %get3A_16 = arith.constant 0 : index
    %get3A_17 = vector.load %arg4[%get3A_15, %get3A_16] : memref<128x1xf32, #tpu.memory_space<vmem>>, vector<128x1xf32>
    %dot_general3A_18 = arith.constant dense<0.000000e+00> : vector<2000x1xf32>
    %dot_general3A_19 = tpu.matmul %mul3A, %get3A_17, %dot_general3A_18 {dimension_numbers = #tpu.dot_dimension_numbers<[1], [0], [0], [1], [0, 0, 1, 1], [], []>, transpose_lhs_hint = false} : vector<2000x128xf32>, vector<128x1xf32>, vector<2000x1xf32> -> vector<2000x1xf32>
    %get3A_20 = arith.constant 0 : index
    %get3A_21 = arith.constant 0 : index
    %get3A_22 = vector.load %arg5[%get3A_20, %get3A_21] : memref<1x1xf32, #tpu.memory_space<vmem>>, vector<1x1xf32>
    %add3A_23 = vector.broadcast %get3A_22 : vector<1x1xf32> to vector<2000x1xf32>
    %add3A_24 = arith.addf %dot_general3A_19, %add3A_23 : vector<2000x1xf32>
    %reshape3A = vector.shape_cast %add3A_24 : vector<2000x1xf32> to vector<1x125x16xf32>
    %swap3A = arith.constant 0 : index
    %swap3A_25 = arith.constant 0 : index
    %swap3A_26 = arith.constant 0 : index
    %swap3A_27 = vector.load %arg6[%swap3A, %swap3A_25, %swap3A_26] : memref<1x125x16xf32, #tpu.memory_space<vmem>>, vector<1x125x16xf32>
    tpu.vector_store %arg6[%swap3A, %swap3A_25, %swap3A_26], %reshape3A {strides = array<i32>} : memref<1x125x16xf32, #tpu.memory_space<vmem>>, vector<1x125x16xf32>,
    return
  }
  func.func @transform_0(%arg0: i32) -> (i32, i32) {
    %c0_i32 = arith.constant 0 : i32
    %c0_i32_0 = arith.constant 0 : i32
    return %arg0, %c0_i32 : i32, i32
  }
  func.func @transform_1(%arg0: i32) -> (i32, i32) {
    %c0_i32 = arith.constant 0 : i32
    %c0_i32_0 = arith.constant 0 : i32
    %c0_i32_1 = arith.constant 0 : i32
    return %c0_i32, %c0_i32_0 : i32, i32
  }
  func.func @transform_2(%arg0: i32) -> (i32, i32) {
    %c0_i32 = arith.constant 0 : i32
    %c0_i32_0 = arith.constant 0 : i32
    %c0_i32_1 = arith.constant 0 : i32
    return %c0_i32, %c0_i32_0 : i32, i32
  }
  func.func @transform_3(%arg0: i32) -> (i32, i32) {
    %c0_i32 = arith.constant 0 : i32
    %c0_i32_0 = arith.constant 0 : i32
    %c0_i32_1 = arith.constant 0 : i32
    return %c0_i32, %c0_i32_0 : i32, i32
  }
  func.func @transform_4(%arg0: i32) -> (i32, i32) {
    %c0_i32 = arith.constant 0 : i32
    %c0_i32_0 = arith.constant 0 : i32
    %c0_i32_1 = arith.constant 0 : i32
    return %c0_i32, %c0_i32_0 : i32, i32
  }
  func.func @transform_5(%arg0: i32) -> (i32, i32, i32) {
    %c0_i32 = arith.constant 0 : i32
    %c0_i32_0 = arith.constant 0 : i32
    %c0_i32_1 = arith.constant 0 : i32
    return %arg0, %c0_i32, %c0_i32_0 : i32, i32, i32
  }
}

</mosaic_0001>

<sc_bundles>
// kernel: kernel.4.cloned.1.call-start
scs
__scs_entry_jumppad:
0x0: {  	(pc) =	sbr.rel $0x88, $3  }
0x1: {  	(tag) =	ssettag $0x0;
	lr =	simm.s32 $0x1  }
0x2: {  	[smem:$0x3F9B] =	sst lr;
	_ =	strace $0xD0000000  }
0x3: {  	_ = 	snop  }
0x4: {  	_ = 	snop  }
0x5: {  	_ = 	snop  }
0x6: {  	_ = 	snop  }
0x7: {  	_ = 	snop  }
__scs_overlays_trampoline_lowered:
0x8: {  	[smem:$0x3FAA] =	sst s0  }
0x9: {  	[smem:$0x3FAB] =	sst s1  }
0xa: {  	[smem:$0x3FAC] =	sst s2  }
0xb: {  	[smem:$0x3FAD] =	sst s3  }
0xc: {  	[smem:$0x3FAE] =	sst s4  }
0xd: {  	[smem:$0x3FAF] =	sst s5  }
0xe: {  	[smem:$0x3FB0] =	sst s6  }
0xf: {  	[smem:$0x3FB1] =	sst s7  }
0x10: {  	[smem:$0x3FB2] =	sst s8  }
0x11: {  	[smem:$0x3FB3] =	sst s9;
	s0 =	simm.s32 @!p0 $0x0  }
0x12: {  	s1 =	sld [smem:$0x3F99];
	s0 =	simm.s32 @p0 $0x1  }
0x13: {  	[smem:$0x3FB4] =	sst s0;
	s0 =	simm.s32 @!p1 $0x0  }
0x14: {  	s2 =	sld [smem:$0x3F98];
	s0 =	simm.s32 @p1 $0x1  }
0x15: {  	[smem:$0x3FB5] =	sst s0;
	s0 =	simm.s32 @!p2 $0x0  }
0x16: {  	s3 =	sld [smem:$0x3FDB];
	s0 =	simm.s32 @p2 $0x1  }
0x17: {  	s4 =	simm.s32 $0x1BF5;
	[smem:$0x3FB7] =	sst s0  }
0x18: {  	s0 =	sld [smem:$0x3F9A];
	_ =	swait.ge [sflag:s4], $0x0  }
0x19: {  	s7 =	sld [smem:$0x3F9B]  }
0x1a: {  	s8 =	sadd.s32 $0xFFFFE003, lr  }
0x1b: {  	s9 =	sadd.s32 $0xFFFFFEF7, lr;
	s5 =	simm.s32 $0xFFFFFFFF;
	p2 =	slt.u32 s8, $0xFFFFF086  }
0x1c: {  	p1 =	slt.u32 s9, $0xF7A;
	s5 =	simm.s32 @!p2 $0x0  }
0x1d: {  	s5 =	simm.s32 @p1 $0x1;
	p0 =	seq.s32 s7, s2  }
0x1e: {  	s7 =	smul.u32 @!p0 $0xF7A, s2;
	p2 =	seq.s32 @!p0 s5, $0x0  }
0x1f: {  	s9 =	smul.u32 $0xF7A, s1;
	s8 =	simm.s32 @!p0 $0x1BF5;
	p2 =	por !p2, p0  }
0x20: {  	[sflag:s8] =	ssyncset.s32 @!p0 $0xFFFFF086;
	s6 =	sadd.s32 @!p0 s3, s7;
	s7 =	simm.s32 @!p0 $0x108  }
0x21: {  	s3 =	sadd.s32 s3, s9;
	s6 =	sadd.s32 @!p0 $0x88, s6;
	s7 =	simm.s32 @p2 $0x1082  }
0x22: {  	[simem:s7], [sflag:s8] =	dma.local @!p0 [hbm:s6], $0xF7A  }
0x23: {  	s9 =	sor.u32 $0xD0000000, s2;
	s6 =	simm.s32 $0x108;
	_ =	swait.ge @!p0 [sflag:s8], $0x0  }
0x24: {  	s3 =	sadd.s32 $0x88, s3;
	s6 =	simm.s32 @!p1 $0x1082;
	[sflag:s4] =	ssyncset.s32 $0xFFFFF086  }
0x25: {  	[simem:s6], [sflag:s4] =	dma.local [hbm:s3], $0xF7A  }
0x26: {  	[smem:$0x3F9B] =	sst s1;
	(tag) =	ssettag s2;
	_ =	strace s9  }
0x27: {  	s1 =	sld [smem:$0x3FAB]  }
0x28: {  	s2 =	sld [smem:$0x3FAC]  }
0x29: {  	s4 =	sld [smem:$0x3FAE]  }
0x2a: {  	p0 =	seq.s32 s5, $0x0;
	s5 =	sld [smem:$0x3FAF]  }
0x2b: {  	s6 =	sld [smem:$0x3FB0]  }
0x2c: {  	s7 =	sld [smem:$0x3FB1]  }
0x2d: {  	s3 =	simm.s32 $0x108;
	s8 =	sld [smem:$0x3FB2]  }
0x2e: {  	s3 =	simm.s32 @!p0 $0x1082;
	s9 =	sld [smem:$0x3FB3]  }
0x2f: {  	lr =	sadd.s32 s0, s3;
	s0 =	sld [smem:$0x3FAA]  }
0x30: {  	s3 =	sld [smem:$0x3FAD]  }
0x31: {  	[smem:$0x3FB6] =	sst s10  }
0x32: {  	s10 =	sld [smem:$0x3FB4];
	_ =	sdelay $0x3  }
0x33: {  	p0 =	seq.s32 s10, $0x1;
	s10 =	sld [smem:$0x3FB6];
	_ =	sdelay $0x3  }
0x34: {  	[smem:$0x3FB6] =	sst s10  }
0x35: {  	s10 =	sld [smem:$0x3FB5];
	_ =	sdelay $0x3  }
0x36: {  	p1 =	seq.s32 s10, $0x1;
	s10 =	sld [smem:$0x3FB6];
	_ =	sdelay $0x3  }
0x37: {  	[smem:$0x3FB6] =	sst s10  }
0x38: {  	s10 =	sld [smem:$0x3FB7]  }
0x39: {  	_ = 	snop;
	(pc) =	sbr.ind lr, $3  }
0x3a: {  	_ = 	snop  }
0x3b: {  	_ = 	snop  }
0x3c: {  	p2 =	seq.s32 s10, $0x1;
	s10 =	sld [smem:$0x3FB6]  }
0x3d: {  	_ =	shalt  }
0x3e: {  	_ =	shalt  }
0x3f: {  	_ =	shalt  }
0x40: {  	_ =	shalt  }
0x41: {  	_ =	shalt  }
0x42: {  	_ =	shalt  }
0x43: {  	_ =	shalt  }
0x44: {  	_ =	shalt  }
0x45: {  	_ =	shalt  }
0x46: {  	_ =	shalt  }
0x47: {  	_ =	shalt  }
0x48: {  	_ =	shalt  }
0x49: {  	_ =	shalt  }
0x4a: {  	_ =	shalt  }
0x4b: {  	_ =	shalt  }
0x4c: {  	_ =	shalt  }
0x4d: {  	_ =	shalt  }
0x4e: {  	_ =	shalt  }
0x4f: {  	_ =	shalt  }
0x50: {  	_ =	shalt  }
0x51: {  	_ =	shalt  }
0x52: {  	_ =	shalt  }
0x53: {  	_ =	shalt  }
0x54: {  	_ =	shalt  }
0x55: {  	_ =	shalt  }
0x56: {  	_ =	shalt  }
0x57: {  	_ =	shalt  }
0x58: {  	_ =	shalt  }
0x59: {  	_ =	shalt  }
0x5a: {  	_ =	shalt  }
0x5b: {  	_ =	shalt  }
0x5c: {  	_ =	shalt  }
0x5d: {  	_ =	shalt  }
0x5e: {  	_ =	shalt  }
0x5f: {  	_ =	shalt  }
0x60: {  	_ =	shalt  }
0x61: {  	_ =	shalt  }
0x62: {  	_ =	shalt  }
0x63: {  	_ =	shalt  }
0x64: {  	_ =	shalt  }
0x65: {  	_ =	shalt  }
0x66: {  	_ =	shalt  }
0x67: {  	_ =	shalt  }
0x68: {  	_ =	shalt  }
0x69: {  	_ =	shalt  }
0x6a: {  	_ =	shalt  }
0x6b: {  	_ =	shalt  }
0x6c: {  	_ =	shalt  }
0x6d: {  	_ =	shalt  }
0x6e: {  	_ =	shalt  }
0x6f: {  	_ =	shalt  }
0x70: {  	_ =	shalt  }
0x71: {  	_ =	shalt  }
0x72: {  	_ =	shalt  }
0x73: {  	_ =	shalt  }
0x74: {  	_ =	shalt  }
0x75: {  	_ =	shalt  }
0x76: {  	_ =	shalt  }
0x77: {  	_ =	shalt  }
0x78: {  	_ =	shalt  }
0x79: {  	_ =	shalt  }
0x7a: {  	_ =	shalt  }
0x7b: {  	_ =	shalt  }
0x7c: {  	_ =	shalt  }
0x7d: {  	_ =	shalt  }
0x7e: {  	_ =	shalt  }
0x7f: {  	_ =	shalt  }
0x80: {  	_ =	shalt  }
0x81: {  	_ =	shalt  }
0x82: {  	_ =	shalt  }
0x83: {  	_ =	shalt  }
0x84: {  	_ =	shalt  }
0x85: {  	_ =	shalt  }
0x86: {  	_ =	shalt  }
0x87: {  	_ =	shalt  }
.Lfunc_end0:
.L_simem_size_0:
called_computation_lowered:
.L_overlay_start_0:
0x88: {  	s0 =	sld [smem:$0x3FD9]  }
0x89: {  	s1 =	sld [smem:$0x3FFE];
	_ =	sdelay $0x3  }
0x8a: {  	s0 =	sadd.s32 s1, s0  }
0x8b: {  	[smem:$0x3FC2] =	sst s0  }
0x8c: {  	_ = 	snop  }
0x8d: {  	s0 =	sld [smem:$0x3FC8]  }
0x8e: {  	s16 =	sld [smem:$0x3FD0];
	(tm) =	ssettm $0x1  }
0x8f: {  	s2 =	sld [smem:$0x3FFB];
	_ =	sdelay $0x3  }
0x90: {  	_ =	strace s2  }
0x91: {  	s2 =	sld [smem:$0x3FFC];
	_ =	sdelay $0x3  }
0x92: {  	_ =	strace s2  }
0x93: {  	s2 =	sld [smem:$0x3FFD];
	_ =	sdelay $0x3  }
0x94: {  	_ =	strace s2  }
0x95: {  	_ =	strace $0x8FFFFFFF  }
0x96: {  	s17 =	sld [smem:$0x3FDB];
	_ =	sdelay $0x1  }
0x97: {  	s3 =	simm.s32 $_scs_section_size  }
0x98: {  	s4 =	simm.s32 $_size__tile_overlayer_lowered;
	s5 =	simm.s32 $_tile_overlayer_lowered  }
0x99: {  	s20 =	simm.s32 $0x1BFF;
	s19 =	sshll.u32 s5, $0x1;
	s2 =	sadd.s32 s3, s17  }
0x9a: {  	s6 =	simm.s32 $0x0;
	s18 =	sshll.u32 s4, $0x1;
	s4 =	sadd.s32 s19, s2  }
0x9b: {  	[timem:s6], [sflag:s20] =	dma.local [hbm:s4], s18  }
0x9c: {  	_ =	swait.ge [sflag:s20], s18  }
0x9d: {  	s3 =	ssub.s32 $0x0, s18;
	[sflag:s20] =	ssyncset.done $0x0  }
0x9e: {  	[sflag:s20] =	ssyncadd.s32 s3;
	_ =	sdelay $0x1  }
0x9f: {  	s21 =	simm.s32 $0x1B8B  }
0xa0: {  	_ =	swait.ge [sflag:s21], $0x1  }
0xa1: {  	[sflag:s21] =	ssyncset.done $0x0  }
0xa2: {  	s23 =	simm.s32 $0x1B8E;
	s22 =	sld [smem:$0x3FFE];
	[sflag:s21] =	ssyncadd.s32 $0xFFFFFFFF  }
0xa3: {  	s24 =	simm.s32 $execute0_lowered;
	[smem:$0x3FD2] =	sst s23  }
0xa4: {  	s4 =	sshll.u32 s24, $0x1;
	_ =	strace $0x80000046;
	[dreg:$0x1] =	wrdreg $0xFFFFFFFF  }
0xa5: {  	s25 =	simm.s32 $_size_execute0_lowered;
	s2 =	sadd.s32 s2, s4;
	[dreg:$0x0] =	wrdreg $0x0  }
0xa6: {  	s4 =	sshll.u32 s25, $0x1;
	[dreg:$0x2] =	wrdreg s2  }
0xa7: {  	[dreg:$0x3] =	wrdreg s4  }
0xa8: {  	[dreg:$0x4] =	wrdreg $0xC0  }
0xa9: {  	_ =	task [dreg:s6], $0x5FFFF  }
0xaa: {  	[dreg:$0x1] =	wrdreg $0xFFFFFFFF  }
0xab: {  	[dreg:$0x0] =	wrdreg $0x60  }
0xac: {  	[dreg:$0x2] =	wrdreg s22  }
0xad: {  	[dreg:$0x3] =	wrdreg s0  }
0xae: {  	[dreg:$0x4] =	wrdreg s16  }
0xaf: {  	[dreg:$0x5] =	wrdreg $0x36000  }
0xb0: {  	[dreg:$0x6] =	wrdreg $0x9  }
0xb1: {  	_ =	task.clear_ibuf [dreg:s6], $0x7FFFF;
	_ =	strace $0x90000046  }
0xb2: {  	s26 =	simm.s32 $0x9;
	_ =	strace $0x80000048  }
0xb3: {  	_ =	swait.ge [sflag:s26], $0x1  }
0xb4: {  	[sflag:s26] =	ssyncadd.s32 $0xFFFFFFFF  }
0xb5: {  	_ =	strace $0x90000048  }
0xb6: {  	_ =	sfence  }
0xb7: {  	s28 =	sld [smem:$0x0];
	_ =	sdelay $0x1  }
0xb8: {  	s29 =	srdreg.scid  }
0xb9: {  	s30 =	sshll.u32 s29, $0xD;
	s31 =	sshrl.u32 s29, $0x2  }
0xba: {  	s1 =	sand.u32 $0x1, s29;
	s2 =	sand.u32 $0x4000, s30;
	s0 =	sadd.s32 s31, s28  }
0xbb: {  	s1 =	sor.u32 s2, s1;
	s0 =	sshll.u32 s0, $0x11  }
0xbc: {  	s0 =	sor.u32 s0, s1  }
0xbd: {  	s0 =	sadd.s32 $0x8F2B, s0  }
0xbe: {  	[sflag:s0] =	ssyncadd.remote.s32 $0x1  }
0xbf: {  	_ =	sfence.sel $0xFFFF  }
0xc0: {  	[dreg:$0x0] =	wrdreg $0xFFFFFFFF;
	(pc) =	sbr.abs _section_cstart, $3  }
0xc1: {  	[dreg:$0x1] =	wrdreg $0xFFFFFFFF  }
0xc2: {  	_ =	task.clear_ibuf [dreg:s6], $0x2FFFF;
	_ =	strace $0x9FFFFFFF  }
0xc3: {  	(tm) =	ssettm $0x7FFFFFFF  }
tec
execute0_lowered:
.L_overlay_start_1:
0x0: {  	(tag) =	ssettag $0x1  }
0x1: {  	s3 =	rddreg [dreg:$0x0]  }
0x2: {  	s5 =	rddreg [dreg:$0x1]  }
0x3: {  	s2 =	rddreg [dreg:$0x2]  }
0x4: {  	s4 =	rddreg [dreg:$0x3]  }
0x5: {  	s0 =	rddreg [dreg:$0x4];
	s6 =	simm.s32 $0x0;
	s1 =	stileid.u32  }
0x6: {  	[smem:$0x7FF] =	sst s6;
	s3 =	sadd.s32 $0x800, s3;
	p0 =	seq.s32 s1, $0xF  }
0x7: {  	_ =	strace $0x80000047;
	s6 =	sadd.s32 @p0 $0x2EE0, s3;
	s7 =	simm.s32 @p0 $0x0  }
0x8: {  	[tilespmem:s7], [sflag:$0x1] =	stream.linear.gather @p0 [hbm4b:s6+s7], $0xFA0, $0x38;
	[tilespmem:$0x3E80] =	vst v63  }
0x9: {  	s6 =	simm.s32 @p0 $0x1  }
0xa: {  	_ =	swait.ge @p0 [sflag:s6], $0xFA0  }
0xb: {  	[sflag:s6] =	ssyncset.done @p0 $0x0  }
0xc: {  	s8 =	sadd.s32 @p0 $0x2EE0, s5;
	s9 =	simm.s32 @p0 $0x1900;
	[sflag:s6] =	ssyncadd.s32 @p0 $0xFFFFF060  }
0xd: {  	[tilespmem:s9], [sflag:$0x1] =	stream.linear.gather @p0 [hbm4b:s8+s7], $0xFA0, $0x38;
	[tilespmem:$0x3E80] =	vst v63  }
0xe: {  	s7 =	smul.u32 @!p0 $0x320, s1;
	_ =	swait.ge @p0 [sflag:s6], $0xFA0  }
0xf: {  	[sflag:s6] =	ssyncset.done @p0 $0x0  }
0x10: {  	s3 =	sadd.s32 @!p0 s3, s7;
	[sflag:s6] =	ssyncadd.s32 @p0 $0xFFFFF060;
	s6 =	simm.s32 @!p0 $0x0  }
0x11: {  	[tilespmem:s6], [sflag:$0x1] =	stream.linear.gather @!p0 [hbm4b:s3+s6], $0x1900, $0x38;
	[tilespmem:$0x3E80] =	vst v63  }
0x12: {  	s3 =	simm.s32 @!p0 $0x1  }
0x13: {  	_ =	swait.ge @!p0 [sflag:s3], $0x1900  }
0x14: {  	[sflag:s3] =	ssyncset.done @!p0 $0x0  }
0x15: {  	s5 =	sadd.s32 @!p0 s5, s7;
	s7 =	simm.s32 @!p0 $0x1900;
	[sflag:s3] =	ssyncadd.s32 @!p0 $0xFFFFE700  }
0x16: {  	[tilespmem:s7], [sflag:$0x1] =	stream.linear.gather @!p0 [hbm4b:s5+s6], $0x1900, $0x38;
	[tilespmem:$0x3E80] =	vst v63  }
0x17: {  	_ =	swait.ge @!p0 [sflag:s3], $0x1900  }
0x18: {  	[sflag:s3] =	ssyncset.done @!p0 $0x0  }
0x19: {  	v0 =	vimm.f32 $0.0e+00;
	[sflag:s3] =	ssyncadd.s32 @!p0 $0xFFFFE700  }
0x1a: {  	[tilespmem:$0x3200] =	vst v0  }
0x1b: {  	[tilespmem:$0x3210] =	vst v0  }
0x1c: {  	[tilespmem:$0x3220] =	vst v0  }
0x1d: {  	[tilespmem:$0x3230] =	vst v0  }
0x1e: {  	[tilespmem:$0x3240] =	vst v0  }
0x1f: {  	[tilespmem:$0x3250] =	vst v0  }
0x20: {  	[tilespmem:$0x3260] =	vst v0  }
0x21: {  	[tilespmem:$0x3270] =	vst v0  }
0x22: {  	[tilespmem:$0x3280] =	vst v0  }
0x23: {  	[tilespmem:$0x3290] =	vst v0  }
0x24: {  	[tilespmem:$0x32A0] =	vst v0  }
0x25: {  	[tilespmem:$0x32B0] =	vst v0  }
0x26: {  	[tilespmem:$0x32C0] =	vst v0  }
0x27: {  	[tilespmem:$0x32D0] =	vst v0  }
0x28: {  	[tilespmem:$0x32E0] =	vst v0  }
0x29: {  	[tilespmem:$0x32F0] =	vst v0  }
0x2a: {  	[tilespmem:$0x3300] =	vst v0  }
0x2b: {  	[tilespmem:$0x3310] =	vst v0  }
0x2c: {  	[tilespmem:$0x3320] =	vst v0  }
0x2d: {  	[tilespmem:$0x3330] =	vst v0  }
0x2e: {  	[tilespmem:$0x3340] =	vst v0  }
0x2f: {  	[tilespmem:$0x3350] =	vst v0  }
0x30: {  	[tilespmem:$0x3360] =	vst v0  }
0x31: {  	[tilespmem:$0x3370] =	vst v0  }
0x32: {  	[tilespmem:$0x3380] =	vst v0  }
0x33: {  	[tilespmem:$0x3390] =	vst v0  }
0x34: {  	[tilespmem:$0x33A0] =	vst v0  }
0x35: {  	[tilespmem:$0x33B0] =	vst v0  }
0x36: {  	[tilespmem:$0x33C0] =	vst v0  }
0x37: {  	[tilespmem:$0x33D0] =	vst v0  }
0x38: {  	[tilespmem:$0x33E0] =	vst v0  }
0x39: {  	[tilespmem:$0x33F0] =	vst v0  }
0x3a: {  	[tilespmem:$0x3400] =	vst v0  }
0x3b: {  	[tilespmem:$0x3410] =	vst v0  }
0x3c: {  	[tilespmem:$0x3420] =	vst v0  }
0x3d: {  	[tilespmem:$0x3430] =	vst v0  }
0x3e: {  	[tilespmem:$0x3440] =	vst v0  }
0x3f: {  	[tilespmem:$0x3450] =	vst v0  }
0x40: {  	[tilespmem:$0x3460] =	vst v0  }
0x41: {  	[tilespmem:$0x3470] =	vst v0  }
0x42: {  	[tilespmem:$0x3480] =	vst v0  }
0x43: {  	[tilespmem:$0x3490] =	vst v0  }
0x44: {  	[tilespmem:$0x34A0] =	vst v0  }
0x45: {  	[tilespmem:$0x34B0] =	vst v0  }
0x46: {  	[tilespmem:$0x34C0] =	vst v0  }
0x47: {  	[tilespmem:$0x34D0] =	vst v0  }
0x48: {  	[tilespmem:$0x34E0] =	vst v0  }
0x49: {  	[tilespmem:$0x34F0] =	vst v0  }
0x4a: {  	[tilespmem:$0x3500] =	vst v0  }
0x4b: {  	[tilespmem:$0x3510] =	vst v0  }
0x4c: {  	[tilespmem:$0x3520] =	vst v0  }
0x4d: {  	[tilespmem:$0x3530] =	vst v0  }
0x4e: {  	[tilespmem:$0x3540] =	vst v0  }
0x4f: {  	[tilespmem:$0x3550] =	vst v0  }
0x50: {  	[tilespmem:$0x3560] =	vst v0  }
0x51: {  	s21 =	simm.s32 $0x1940;
	[tilespmem:$0x3570] =	vst v0  }
0x52: {  	s22 =	simm.s32 $0x40;
	s23 =	simm.s32 $0x3200;
	s31 =	sshll.u32 s1, $0x6;
	[tilespmem:$0x3580] =	vst v0  }
0x53: {  	s30 =	sshll.u32 s1, $0xA;
	s20 =	sshll.u32 s1, $0x3;
	s19 =	sadd.s32 s31, s4;
	[tilespmem:$0x3590] =	vst v0  }
0x54: {  	s2 =	sadd.s32 s2, s20;
	s20 =	simm.s32 $0xFFFFFFF8;
	s18 =	sadd.s32 $0x400, s19;
	[tilespmem:$0x35A0] =	vst v0  }
0x55: {  	s17 =	sadd.s32 $0x800, s19;
	s16 =	sadd.s32 $0xC00, s19;
	s15 =	sadd.s32 $0x1000, s19;
	[tilespmem:$0x35B0] =	vst v0  }
0x56: {  	s14 =	sadd.s32 $0x1400, s19;
	s13 =	sadd.s32 $0x1800, s19;
	s12 =	sadd.s32 $0x1C00, s19;
	[tilespmem:$0x35C0] =	vst v0  }
0x57: {  	s11 =	sadd.s32 $0x2000, s19;
	s10 =	sadd.s32 $0x2400, s19;
	s9 =	sadd.s32 $0x2800, s19;
	[tilespmem:$0x35D0] =	vst v0  }
0x58: {  	s8 =	sadd.s32 $0x2C00, s19;
	s7 =	sadd.s32 $0x3000, s19;
	s6 =	sadd.s32 $0x3400, s19;
	[tilespmem:$0x35E0] =	vst v0  }
0x59: {  	s5 =	sadd.s32 $0x3800, s19;
	s3 =	sadd.s32 s30, s4;
	s4 =	sadd.s32 $0x3C00, s19;
	[tilespmem:$0x35F0] =	vst v0  }
.LBB2_1:
0x5a: {  	v0 =	vld [tilespmem:s21+$0xFFFFFFC0];
	_ =	sdelay $0x2  }
0x5b: {  	v1 =	vld [tilespmem:s22+$0xFFFFFFC0];
	_ =	sdelay $0x4  }
0x5c: {  	[tilespmem:v0+s23+$0x0] =	vst.idx.add.f32.msk $0xffff, v1  }
0x5d: {  	v0 =	vld [tilespmem:s21+$0xFFFFFFD0];
	_ =	sdelay $0x2  }
0x5e: {  	v1 =	vld [tilespmem:s22+$0xFFFFFFD0];
	_ =	sdelay $0x4  }
0x5f: {  	[tilespmem:v0+s23+$0x0] =	vst.idx.add.f32.msk $0xffff, v1  }
0x60: {  	v0 =	vld [tilespmem:s21+$0xFFFFFFE0];
	_ =	sdelay $0x2  }
0x61: {  	v1 =	vld [tilespmem:s22+$0xFFFFFFE0];
	_ =	sdelay $0x4  }
0x62: {  	[tilespmem:v0+s23+$0x0] =	vst.idx.add.f32.msk $0xffff, v1  }
0x63: {  	v0 =	vld [tilespmem:s21+$0xFFFFFFF0];
	_ =	sdelay $0x2  }
0x64: {  	v1 =	vld [tilespmem:s22+$0xFFFFFFF0];
	_ =	sdelay $0x4  }
0x65: {  	[tilespmem:v0+s23+$0x0] =	vst.idx.add.f32.msk $0xffff, v1  }
0x66: {  	v0 =	vld [tilespmem:s21+$0x0];
	_ =	sdelay $0x2  }
0x67: {  	v1 =	vld [tilespmem:s22+$0x0];
	_ =	sdelay $0x4  }
0x68: {  	[tilespmem:v0+s23+$0x0] =	vst.idx.add.f32.msk $0xffff, v1  }
0x69: {  	v0 =	vld [tilespmem:s21+$0x10];
	_ =	sdelay $0x2  }
0x6a: {  	v1 =	vld [tilespmem:s22+$0x10];
	_ =	sdelay $0x4  }
0x6b: {  	[tilespmem:v0+s23+$0x0] =	vst.idx.add.f32.msk $0xffff, v1  }
0x6c: {  	v0 =	vld [tilespmem:s21+$0x20];
	_ =	sdelay $0x2  }
0x6d: {  	v1 =	vld [tilespmem:s22+$0x20];
	_ =	sdelay $0x4  }
0x6e: {  	[tilespmem:v0+s23+$0x0] =	vst.idx.add.f32.msk $0xffff, v1  }
0x6f: {  	v0 =	vld [tilespmem:s21+$0x30];
	_ =	sdelay $0x1  }
0x70: {  	s20 =	sadd.s32 $0x8, s20  }
0x71: {  	p1 =	slt.u32 s20, $0xF0;
	v1 =	vld [tilespmem:s22+$0x30]  }
.Ltmp0:
0x72: {  	_ = 	snop;
	(pc) =	sbr.rel @p1 .LBB2_1-.Ltmp0, $2  }
0x73: {  	_ =	sdelay $0x2  }
0x74: {  	s21 =	sadd.s32 $0x80, s21;
	s22 =	sadd.s32 $0x80, s22;
	[tilespmem:v0+s23+$0x0] =	vst.idx.add.f32.msk $0xffff, v1  }
0x75: {  	v0 =	vld [tilespmem:$0x2880];
	_ =	sdelay $0x2  }
0x76: {  	v1 =	vld [tilespmem:$0xF80];
	_ =	sdelay $0x3  }
0x77: {  	s20 =	simm.s32 $0x3200  }
0x78: {  	[tilespmem:v0+s20+$0x0] =	vst.idx.add.f32.msk $0xffff, v1  }
0x79: {  	v0 =	vld [tilespmem:$0x2890];
	_ =	sdelay $0x2  }
0x7a: {  	v1 =	vld [tilespmem:$0xF90]  }
.Ltmp1:
0x7b: {  	_ = 	snop;
	(pc) =	sbr.rel @p0 .LBB2_6-.Ltmp1, $2  }
0x7c: {  	_ =	sdelay $0x2  }
0x7d: {  	[tilespmem:v0+s20+$0x0] =	vst.idx.add.f32.msk $0xffff, v1  }
0x7e: {  	s21 =	simm.s32 $0xF2;
	s22 =	simm.s32 $0x2910;
	s23 =	simm.s32 $0x1010  }
.LBB2_4:
0x7f: {  	v0 =	vld [tilespmem:s22+$0xFFFFFF90];
	_ =	sdelay $0x2  }
0x80: {  	v1 =	vld [tilespmem:s23+$0xFFFFFF90];
	_ =	sdelay $0x4  }
0x81: {  	[tilespmem:v0+s20+$0x0] =	vst.idx.add.f32.msk $0xffff, v1  }
0x82: {  	v0 =	vld [tilespmem:s22+$0xFFFFFFA0];
	_ =	sdelay $0x2  }
0x83: {  	v1 =	vld [tilespmem:s23+$0xFFFFFFA0];
	_ =	sdelay $0x4  }
0x84: {  	[tilespmem:v0+s20+$0x0] =	vst.idx.add.f32.msk $0xffff, v1  }
0x85: {  	v0 =	vld [tilespmem:s22+$0xFFFFFFB0];
	_ =	sdelay $0x2  }
0x86: {  	v1 =	vld [tilespmem:s23+$0xFFFFFFB0];
	_ =	sdelay $0x4  }
0x87: {  	[tilespmem:v0+s20+$0x0] =	vst.idx.add.f32.msk $0xffff, v1  }
0x88: {  	v0 =	vld [tilespmem:s22+$0xFFFFFFC0];
	_ =	sdelay $0x2  }
0x89: {  	v1 =	vld [tilespmem:s23+$0xFFFFFFC0];
	_ =	sdelay $0x4  }
0x8a: {  	[tilespmem:v0+s20+$0x0] =	vst.idx.add.f32.msk $0xffff, v1  }
0x8b: {  	v0 =	vld [tilespmem:s22+$0xFFFFFFD0];
	_ =	sdelay $0x2  }
0x8c: {  	v1 =	vld [tilespmem:s23+$0xFFFFFFD0];
	_ =	sdelay $0x4  }
0x8d: {  	[tilespmem:v0+s20+$0x0] =	vst.idx.add.f32.msk $0xffff, v1  }
0x8e: {  	v0 =	vld [tilespmem:s22+$0xFFFFFFE0];
	_ =	sdelay $0x2  }
0x8f: {  	v1 =	vld [tilespmem:s23+$0xFFFFFFE0];
	_ =	sdelay $0x4  }
0x90: {  	[tilespmem:v0+s20+$0x0] =	vst.idx.add.f32.msk $0xffff, v1  }
0x91: {  	v0 =	vld [tilespmem:s22+$0xFFFFFFF0];
	_ =	sdelay $0x2  }
0x92: {  	v1 =	vld [tilespmem:s23+$0xFFFFFFF0];
	_ =	sdelay $0x4  }
0x93: {  	[tilespmem:v0+s20+$0x0] =	vst.idx.add.f32.msk $0xffff, v1  }
0x94: {  	v0 =	vld [tilespmem:s22+$0x0];
	_ =	sdelay $0x1  }
0x95: {  	s21 =	sadd.s32 $0x8, s21  }
0x96: {  	p0 =	slt.u32 s21, $0x182;
	v1 =	vld [tilespmem:s23+$0x0]  }
.Ltmp2:
0x97: {  	_ = 	snop;
	(pc) =	sbr.rel @p0 .LBB2_4-.Ltmp2, $2  }
0x98: {  	_ =	sdelay $0x2  }
0x99: {  	s22 =	sadd.s32 $0x80, s22;
	s23 =	sadd.s32 $0x80, s23;
	[tilespmem:v0+s20+$0x0] =	vst.idx.add.f32.msk $0xffff, v1  }
0x9a: {  	v0 =	vld [tilespmem:$0x31A0];
	_ =	sdelay $0x2  }
0x9b: {  	v1 =	vld [tilespmem:$0x18A0];
	_ =	sdelay $0x3  }
0x9c: {  	s21 =	simm.s32 $0x3200  }
0x9d: {  	[tilespmem:v0+s21+$0x0] =	vst.idx.add.f32.msk $0xffff, v1  }
0x9e: {  	v0 =	vld [tilespmem:$0x31B0];
	_ =	sdelay $0x2  }
0x9f: {  	v1 =	vld [tilespmem:$0x18B0];
	_ =	sdelay $0x4  }
0xa0: {  	[tilespmem:v0+s21+$0x0] =	vst.idx.add.f32.msk $0xffff, v1  }
0xa1: {  	v0 =	vld [tilespmem:$0x31C0];
	_ =	sdelay $0x2  }
0xa2: {  	v1 =	vld [tilespmem:$0x18C0];
	_ =	sdelay $0x4  }
0xa3: {  	[tilespmem:v0+s21+$0x0] =	vst.idx.add.f32.msk $0xffff, v1  }
0xa4: {  	v0 =	vld [tilespmem:$0x31D0];
	_ =	sdelay $0x2  }
0xa5: {  	v1 =	vld [tilespmem:$0x18D0];
	_ =	sdelay $0x4  }
0xa6: {  	[tilespmem:v0+s21+$0x0] =	vst.idx.add.f32.msk $0xffff, v1  }
0xa7: {  	v0 =	vld [tilespmem:$0x31E0];
	_ =	sdelay $0x2  }
0xa8: {  	v1 =	vld [tilespmem:$0x18E0];
	_ =	sdelay $0x4  }
0xa9: {  	[tilespmem:v0+s21+$0x0] =	vst.idx.add.f32.msk $0xffff, v1  }
0xaa: {  	v0 =	vld [tilespmem:$0x31F0];
	_ =	sdelay $0x2  }
0xab: {  	v1 =	vld [tilespmem:$0x18F0];
	_ =	sdelay $0x4  }
0xac: {  	[tilespmem:v0+s21+$0x0] =	vst.idx.add.f32.msk $0xffff, v1  }
.LBB2_6:
0xad: {  	[spmem:s3] =	stream.linear.scatter [tilespmem:s20], [sflag:$0x1], $0x400, $0x38;
	[tilespmem:$0x3E80] =	vst v63  }
0xae: {  	s3 =	simm.s32 $0x1  }
0xaf: {  	_ =	swait.ge [sflag:s3], $0x400  }
0xb0: {  	[sflag:s3] =	ssyncset.done $0x0  }
0xb1: {  	[sflag:s3] =	ssyncadd.s32 $0xFFFFFC00  }
0xb2: {  	s28 =	simm.s32 $0x3A00;
	[bflag:$0x0] =	sbarrier.arrive $0xFFFF  }
0xb3: {  	[tilespmem:s28], [sflag:$0x1] =	stream.linear.gather [spmem:s19], $0x40, $0x38;
	[tilespmem:$0x3E80] =	vst v63  }
0xb4: {  	_ =	swait.ge [sflag:s3], $0x40  }
0xb5: {  	[sflag:s3] =	ssyncset.done $0x0  }
0xb6: {  	s29 =	simm.s32 $0x3A40;
	[sflag:s3] =	ssyncadd.s32 $0xFFFFFFC0  }
0xb7: {  	[tilespmem:s29], [sflag:$0x1] =	stream.linear.gather [spmem:s18], $0x40, $0x38;
	[tilespmem:$0x3E80] =	vst v63  }
0xb8: {  	_ =	swait.ge [sflag:s3], $0x40  }
0xb9: {  	[sflag:s3] =	ssyncset.done $0x0  }
0xba: {  	s30 =	simm.s32 $0x3A80;
	[sflag:s3] =	ssyncadd.s32 $0xFFFFFFC0  }
0xbb: {  	[tilespmem:s30], [sflag:$0x1] =	stream.linear.gather [spmem:s17], $0x40, $0x38;
	[tilespmem:$0x3E80] =	vst v63  }
0xbc: {  	_ =	swait.ge [sflag:s3], $0x40  }
0xbd: {  	[sflag:s3] =	ssyncset.done $0x0  }
0xbe: {  	s31 =	simm.s32 $0x3AC0;
	[sflag:s3] =	ssyncadd.s32 $0xFFFFFFC0  }
0xbf: {  	[tilespmem:s31], [sflag:$0x1] =	stream.linear.gather [spmem:s16], $0x40, $0x38;
	[tilespmem:$0x3E80] =	vst v63  }
0xc0: {  	_ =	swait.ge [sflag:s3], $0x40  }
0xc1: {  	[sflag:s3] =	ssyncset.done $0x0  }
0xc2: {  	s17 =	simm.s32 $0x3B00;
	[sflag:s3] =	ssyncadd.s32 $0xFFFFFFC0  }
0xc3: {  	[tilespmem:s17], [sflag:$0x1] =	stream.linear.gather [spmem:s15], $0x40, $0x38;
	[tilespmem:$0x3E80] =	vst v63  }
0xc4: {  	_ =	swait.ge [sflag:s3], $0x40  }
0xc5: {  	[sflag:s3] =	ssyncset.done $0x0  }
0xc6: {  	s18 =	simm.s32 $0x3B40;
	[sflag:s3] =	ssyncadd.s32 $0xFFFFFFC0  }
0xc7: {  	[tilespmem:s18], [sflag:$0x1] =	stream.linear.gather [spmem:s14], $0x40, $0x38;
	[tilespmem:$0x3E80] =	vst v63  }
0xc8: {  	_ =	swait.ge [sflag:s3], $0x40  }
0xc9: {  	[sflag:s3] =	ssyncset.done $0x0  }
0xca: {  	s19 =	simm.s32 $0x3B80;
	[sflag:s3] =	ssyncadd.s32 $0xFFFFFFC0  }
0xcb: {  	[tilespmem:s19], [sflag:$0x1] =	stream.linear.gather [spmem:s13], $0x40, $0x38;
	[tilespmem:$0x3E80] =	vst v63  }
0xcc: {  	_ =	swait.ge [sflag:s3], $0x40  }
0xcd: {  	[sflag:s3] =	ssyncset.done $0x0  }
0xce: {  	s20 =	simm.s32 $0x3BC0;
	[sflag:s3] =	ssyncadd.s32 $0xFFFFFFC0  }
0xcf: {  	[tilespmem:s20], [sflag:$0x1] =	stream.linear.gather [spmem:s12], $0x40, $0x38;
	[tilespmem:$0x3E80] =	vst v63  }
0xd0: {  	_ =	swait.ge [sflag:s3], $0x40  }
0xd1: {  	[sflag:s3] =	ssyncset.done $0x0  }
0xd2: {  	s21 =	simm.s32 $0x3C00;
	[sflag:s3] =	ssyncadd.s32 $0xFFFFFFC0  }
0xd3: {  	[tilespmem:s21], [sflag:$0x1] =	stream.linear.gather [spmem:s11], $0x40, $0x38;
	[tilespmem:$0x3E80] =	vst v63  }
0xd4: {  	_ =	swait.ge [sflag:s3], $0x40  }
0xd5: {  	[sflag:s3] =	ssyncset.done $0x0  }
0xd6: {  	s22 =	simm.s32 $0x3C40;
	[sflag:s3] =	ssyncadd.s32 $0xFFFFFFC0  }
0xd7: {  	[tilespmem:s22], [sflag:$0x1] =	stream.linear.gather [spmem:s10], $0x40, $0x38;
	[tilespmem:$0x3E80] =	vst v63  }
0xd8: {  	_ =	swait.ge [sflag:s3], $0x40  }
0xd9: {  	[sflag:s3] =	ssyncset.done $0x0  }
0xda: {  	s23 =	simm.s32 $0x3C80;
	[sflag:s3] =	ssyncadd.s32 $0xFFFFFFC0  }
0xdb: {  	[tilespmem:s23], [sflag:$0x1] =	stream.linear.gather [spmem:s9], $0x40, $0x38;
	[tilespmem:$0x3E80] =	vst v63  }
0xdc: {  	_ =	swait.ge [sflag:s3], $0x40  }
0xdd: {  	[sflag:s3] =	ssyncset.done $0x0  }
0xde: {  	s24 =	simm.s32 $0x3CC0;
	[sflag:s3] =	ssyncadd.s32 $0xFFFFFFC0  }
0xdf: {  	[tilespmem:s24], [sflag:$0x1] =	stream.linear.gather [spmem:s8], $0x40, $0x38;
	[tilespmem:$0x3E80] =	vst v63  }
0xe0: {  	_ =	swait.ge [sflag:s3], $0x40  }
0xe1: {  	[sflag:s3] =	ssyncset.done $0x0  }
0xe2: {  	s25 =	simm.s32 $0x3D00;
	[sflag:s3] =	ssyncadd.s32 $0xFFFFFFC0  }
0xe3: {  	[tilespmem:s25], [sflag:$0x1] =	stream.linear.gather [spmem:s7], $0x40, $0x38;
	[tilespmem:$0x3E80] =	vst v63  }
0xe4: {  	_ =	swait.ge [sflag:s3], $0x40  }
0xe5: {  	[sflag:s3] =	ssyncset.done $0x0  }
0xe6: {  	s26 =	simm.s32 $0x3D40;
	[sflag:s3] =	ssyncadd.s32 $0xFFFFFFC0  }
0xe7: {  	[tilespmem:s26], [sflag:$0x1] =	stream.linear.gather [spmem:s6], $0x40, $0x38;
	[tilespmem:$0x3E80] =	vst v63  }
0xe8: {  	_ =	swait.ge [sflag:s3], $0x40  }
0xe9: {  	[sflag:s3] =	ssyncset.done $0x0  }
0xea: {  	s28 =	simm.s32 $0x3D80;
	[sflag:s3] =	ssyncadd.s32 $0xFFFFFFC0  }
0xeb: {  	[tilespmem:s28], [sflag:$0x1] =	stream.linear.gather [spmem:s5], $0x40, $0x38;
	[tilespmem:$0x3E80] =	vst v63  }
0xec: {  	_ =	swait.ge [sflag:s3], $0x40  }
0xed: {  	[sflag:s3] =	ssyncset.done $0x0  }
0xee: {  	s29 =	simm.s32 $0x3DC0;
	[sflag:s3] =	ssyncadd.s32 $0xFFFFFFC0  }
0xef: {  	[tilespmem:s29], [sflag:$0x1] =	stream.linear.gather [spmem:s4], $0x40, $0x38;
	[tilespmem:$0x3E80] =	vst v63  }
0xf0: {  	_ =	swait.ge [sflag:s3], $0x40  }
0xf1: {  	[sflag:s3] =	ssyncset.done $0x0  }
0xf2: {  	[sflag:s3] =	ssyncadd.s32 $0xFFFFFFC0  }
0xf3: {  	v0 =	vld [tilespmem:$0x3A00]  }
0xf4: {  	v1 =	vld [tilespmem:$0x3A40]  }
0xf5: {  	v2 =	vld [tilespmem:$0x3A80]  }
0xf6: {  	v3 =	vld [tilespmem:$0x3AC0]  }
0xf7: {  	v4 =	vld [tilespmem:$0x3B00]  }
0xf8: {  	v5 =	vld [tilespmem:$0x3B40]  }
0xf9: {  	v6 =	vld [tilespmem:$0x3B80]  }
0xfa: {  	v7 =	vld [tilespmem:$0x3BC0]  }
0xfb: {  	v8 =	vld [tilespmem:$0x3C00]  }
0xfc: {  	v9 =	vld [tilespmem:$0x3C40]  }
0xfd: {  	v10 =	vld [tilespmem:$0x3C80]  }
0xfe: {  	v11 =	vld [tilespmem:$0x3CC0]  }
0xff: {  	v12 =	vld [tilespmem:$0x3D00]  }
0x100: {  	v13 =	vld [tilespmem:$0x3D40]  }
0x101: {  	v14 =	vld [tilespmem:$0x3D80]  }
0x102: {  	v15 =	vld [tilespmem:$0x3DC0]  }
0x103: {  	v16 =	vld [tilespmem:$0x3A10]  }
0x104: {  	v17 =	vld [tilespmem:$0x3A50]  }
0x105: {  	v18 =	vld [tilespmem:$0x3A90]  }
0x106: {  	v19 =	vld [tilespmem:$0x3AD0]  }
0x107: {  	v20 =	vld [tilespmem:$0x3B10]  }
0x108: {  	v21 =	vld [tilespmem:$0x3B50]  }
0x109: {  	v22 =	vld [tilespmem:$0x3B90]  }
0x10a: {  	v23 =	vld [tilespmem:$0x3BD0]  }
0x10b: {  	v24 =	vld [tilespmem:$0x3C10]  }
0x10c: {  	v25 =	vld [tilespmem:$0x3C50]  }
0x10d: {  	v26 =	vld [tilespmem:$0x3C90]  }
0x10e: {  	v27 =	vld [tilespmem:$0x3CD0]  }
0x10f: {  	v28 =	vld [tilespmem:$0x3D10]  }
0x110: {  	v29 =	vld [tilespmem:$0x3D50]  }
0x111: {  	v30 =	vld [tilespmem:$0x3D90]  }
0x112: {  	v31 =	vld [tilespmem:$0x3DD0]  }
0x113: {  	v32 =	vld [tilespmem:$0x3A20]  }
0x114: {  	v33 =	vld [tilespmem:$0x3A30]  }
0x115: {  	v34 =	vld [tilespmem:$0x3A60]  }
0x116: {  	v35 =	vld [tilespmem:$0x3A70];
	v0 =	vadd.f32 $0.0e+00, v0  }
0x117: {  	v36 =	vld [tilespmem:$0x3AA0];
	v16 =	vadd.f32 $0.0e+00, v16  }
0x118: {  	v59 =	vld [tilespmem:$0x3AB0];
	v58 =	vadd.f32 $0.0e+00, v32;
	v0 =	vadd.f32 v1, v0  }
0x119: {  	v60 =	vld [tilespmem:$0x3AE0];
	v33 =	vadd.f32 $0.0e+00, v33;
	v16 =	vadd.f32 v17, v16  }
0x11a: {  	v61 =	vld [tilespmem:$0x3AF0];
	v1 =	vadd.f32 v34, v58;
	v0 =	vadd.f32 v2, v0  }
0x11b: {  	v63 =	vld [tilespmem:$0x3B20];
	v62 =	vadd.f32 v35, v33;
	v16 =	vadd.f32 v18, v16  }
0x11c: {  	v37 =	vld [tilespmem:$0x3B30];
	v1 =	vadd.f32 v36, v1;
	v0 =	vadd.f32 v3, v0  }
0x11d: {  	v38 =	vld [tilespmem:$0x3B60];
	v18 =	vadd.f32 v59, v62;
	v16 =	vadd.f32 v19, v16  }
0x11e: {  	v39 =	vld [tilespmem:$0x3B70];
	v1 =	vadd.f32 v60, v1;
	v0 =	vadd.f32 v4, v0  }
0x11f: {  	v40 =	vld [tilespmem:$0x3BA0];
	v2 =	vadd.f32 v61, v18;
	v16 =	vadd.f32 v20, v16  }
0x120: {  	v41 =	vld [tilespmem:$0x3BB0];
	v1 =	vadd.f32 v63, v1;
	v0 =	vadd.f32 v5, v0  }
0x121: {  	v42 =	vld [tilespmem:$0x3BE0];
	v2 =	vadd.f32 v37, v2;
	v16 =	vadd.f32 v21, v16  }
0x122: {  	v43 =	vld [tilespmem:$0x3BF0];
	v1 =	vadd.f32 v38, v1;
	v0 =	vadd.f32 v6, v0  }
0x123: {  	v44 =	vld [tilespmem:$0x3C20];
	v2 =	vadd.f32 v39, v2;
	v16 =	vadd.f32 v22, v16  }
0x124: {  	v45 =	vld [tilespmem:$0x3C30];
	v1 =	vadd.f32 v40, v1;
	v0 =	vadd.f32 v7, v0  }
0x125: {  	v46 =	vld [tilespmem:$0x3C60];
	v2 =	vadd.f32 v41, v2;
	v16 =	vadd.f32 v23, v16  }
0x126: {  	v47 =	vld [tilespmem:$0x3C70];
	v1 =	vadd.f32 v42, v1;
	v0 =	vadd.f32 v8, v0  }
0x127: {  	v49 =	vld [tilespmem:$0x3CA0];
	v2 =	vadd.f32 v43, v2;
	v48 =	vadd.f32 v24, v16  }
0x128: {  	v50 =	vld [tilespmem:$0x3CB0];
	v1 =	vadd.f32 v44, v1;
	v0 =	vadd.f32 v9, v0  }
0x129: {  	v51 =	vld [tilespmem:$0x3CE0];
	v2 =	vadd.f32 v45, v2;
	v8 =	vadd.f32 v25, v48  }
0x12a: {  	v52 =	vld [tilespmem:$0x3CF0];
	v1 =	vadd.f32 v46, v1;
	v0 =	vadd.f32 v10, v0  }
0x12b: {  	v53 =	vld [tilespmem:$0x3D20];
	v2 =	vadd.f32 v47, v2;
	v8 =	vadd.f32 v26, v8  }
0x12c: {  	v54 =	vld [tilespmem:$0x3D30];
	v1 =	vadd.f32 v49, v1;
	v0 =	vadd.f32 v11, v0  }
0x12d: {  	v55 =	vld [tilespmem:$0x3D60];
	v2 =	vadd.f32 v50, v2;
	v8 =	vadd.f32 v27, v8  }
0x12e: {  	v56 =	vld [tilespmem:$0x3D70];
	v1 =	vadd.f32 v51, v1;
	v0 =	vadd.f32 v12, v0  }
0x12f: {  	v57 =	vld [tilespmem:$0x3DA0];
	v2 =	vadd.f32 v52, v2;
	v8 =	vadd.f32 v28, v8  }
0x130: {  	v58 =	vld [tilespmem:$0x3DB0];
	v1 =	vadd.f32 v53, v1;
	v0 =	vadd.f32 v13, v0  }
0x131: {  	v59 =	vld [tilespmem:$0x3DE0];
	v2 =	vadd.f32 v54, v2;
	v8 =	vadd.f32 v29, v8  }
0x132: {  	v60 =	vld [tilespmem:$0x3DF0];
	v1 =	vadd.f32 v55, v1;
	v0 =	vadd.f32 v14, v0  }
0x133: {  	v2 =	vadd.f32 v56, v2;
	v8 =	vadd.f32 v30, v8  }
0x134: {  	v1 =	vadd.f32 v57, v1;
	v0 =	vadd.f32 v15, v0  }
0x135: {  	v2 =	vadd.f32 v58, v2;
	v61 =	vadd.f32 v31, v8  }
0x136: {  	v62 =	vadd.f32 v59, v1;
	[tilespmem:$0x3E00] =	vst v0  }
0x137: {  	v63 =	vadd.f32 v60, v2;
	[tilespmem:$0x3E10] =	vst v61  }
0x138: {  	[tilespmem:$0x3E20] =	vst v62  }
0x139: {  	s30 =	simm.s32 $0x0;
	s31 =	simm.s32 $0x3E00;
	[tilespmem:$0x3E30] =	vst v63  }
0x13a: {  	[hbm4b:s2+s30] =	stream.linear.scatter [tilespmem:s31], [sflag:$0x1], $0x40, $0x38;
	[tilespmem:$0x3E80] =	vst v63  }
0x13b: {  	_ =	swait.ge [sflag:s3], $0x40  }
0x13c: {  	[sflag:s3] =	ssyncset.done $0x0  }
0x13d: {  	[sflag:s3] =	ssyncadd.s32 $0xFFFFFFC0  }
0x13e: {  	_ =	sfence.sel $0x180000  }
0x13f: {  	[bflag:$0x0] =	sbarrier.arrive $0xFFFF  }
0x140: {  	p0 =	sne.s32 s1, $0x0;
	_ =	strace $0x90000047  }
0x141: {  	s0 =	sadd.s32 @!p0 $0x100000, s0;
	[bflag:$0x2] =	sbarrier.arrive $0xFFFF  }
0x142: {  	[sflag:s0] =	ssyncadd.tile.s32 @!p0 $0x1;
	_ =	shalt  }
.Lfunc_end2:
_tile_overlayer_lowered:
.L_overlay_start_2:
0x143: {  	(tag) =	ssettag $0x2  }
0x144: {  	s0 =	rddreg [dreg:$0x0];
	s2 =	stileid.u32  }
0x145: {  	s1 =	rddreg [dreg:$0x1];
	p0 =	sne.s32 s2, $0x0  }
0x146: {  	s3 =	rddreg [dreg:$0x2];
	[bflag:$0x3] =	sbarrier.arrive $0xFFFF;
	s2 =	simm.s32 @!p0 $0x1C01  }
0x147: {  	[timem:s3], [sflag:s2] =	dma.local @!p0 [hbm:s0], s1  }
0x148: {  	s0 =	simm.s32 @!p0 $0x1  }
0x149: {  	_ =	swait.ge @!p0 [sflag:s0], s1  }
0x14a: {  	s1 =	ssub.s32 @!p0 $0x0, s1;
	[sflag:s0] =	ssyncset.done @!p0 $0x0  }
0x14b: {  	[sflag:s0] =	ssyncadd.s32 @!p0 s1  }
0x14c: {  	[bflag:$0x3] =	sbarrier.arrive $0xFFFF  }
0x14d: {  	_ =	shalt  }

</sc_bundles>
